<compile_context>
chip_gen: v7x
topology: tpu7x:2x2x1
jax: 0.10.2.dev20260603
libtpu: 0.0.44.dev20260713+nightly
codegen_flags: <defaults>
</compile_context>

<pallas_src>
import functools

import jax
import jax.numpy as jnp
from jax import lax
from jax.experimental import pallas as pl
from jax.experimental.pallas import tpu as pltpu
from jax.experimental.pallas import tpu_sc as plsc

N = 10000
E = 320000
C = 128
OUTC = 64

NC = 2
NS = 16
NW = NC * NS
K = 128
NCHUNK = 79
EPW = NCHUNK * K
E_PAD = NW * EPW
CH_A = 102
CH_B = 56
N_PAD = 10112
RPT = N_PAD // NS

_mesh = plsc.VectorSubcoreMesh(
    core_axis_name="c", subcore_axis_name="s", num_cores=NC, num_subcores=NS
)


@functools.partial(
    pl.kernel,
    out_type=jax.ShapeDtypeStruct((NC, N_PAD, C), jnp.float32),
    mesh=_mesh,
    scratch_types=[
        pltpu.VMEM((NCHUNK, K), jnp.int32),
        pltpu.VMEM((K, C), jnp.float32),
        pltpu.VMEM_SHARED((N_PAD, C), jnp.float32),
    ],
)
def _sc_degree(col_hbm, ones_hbm, zeros_hbm, out_hbm, colv, onesv, acc):
    c = lax.axis_index("c")
    s = lax.axis_index("s")
    w = c * NS + s
    pltpu.sync_copy(zeros_hbm, acc.at[pl.ds(s * RPT, RPT)])
    pltpu.sync_copy(col_hbm.at[w], colv)
    pltpu.sync_copy(ones_hbm, onesv)
    plsc.subcore_barrier()

    def body(j, carry):
        pltpu.sync_copy(onesv, acc.at[colv.at[j]], add=True)
        return carry

    lax.fori_loop(0, NCHUNK, body, 0)
    plsc.subcore_barrier()
    pltpu.sync_copy(acc.at[pl.ds(s * RPT, RPT)], out_hbm.at[c, pl.ds(s * RPT, RPT)])


@functools.partial(
    pl.kernel,
    out_type=jax.ShapeDtypeStruct((NC, N_PAD, C), jnp.float32),
    mesh=_mesh,
    scratch_types=[
        pltpu.VMEM((CH_A, K), jnp.int32),
        pltpu.VMEM((CH_A, K), jnp.int32),
        pltpu.VMEM((K, C), jnp.float32),
        pltpu.VMEM_SHARED((N_PAD, C), jnp.float32),
        pltpu.SemaphoreType.DMA,
    ],
)
def _sc_scatter(g_hbm, rowa_hbm, cola_hbm, rowb_hbm, colb_hbm, zeros_hbm,
                out_hbm, rowv, colv, buf, acc, sem):
    c = lax.axis_index("c")
    s = lax.axis_index("s")
    pltpu.sync_copy(zeros_hbm, acc.at[pl.ds(s * RPT, RPT)])
    plsc.subcore_barrier()

    def body(j, carry):
        pltpu.async_copy(g_hbm.at[rowv.at[j]], buf, sem).wait()
        pltpu.sync_copy(buf, acc.at[colv.at[j]], add=True)
        return carry

    @pl.when(c == 0)
    def _():
        pltpu.sync_copy(rowa_hbm.at[s], rowv)
        pltpu.sync_copy(cola_hbm.at[s], colv)
        lax.fori_loop(0, CH_A, body, 0)

    @pl.when(c == 1)
    def _():
        pltpu.sync_copy(rowb_hbm.at[s], rowv.at[pl.ds(0, CH_B)])
        pltpu.sync_copy(colb_hbm.at[s], colv.at[pl.ds(0, CH_B)])
        lax.fori_loop(0, CH_B, body, 0)

    plsc.subcore_barrier()
    pltpu.sync_copy(acc.at[pl.ds(s * RPT, RPT)], out_hbm.at[c, pl.ds(s * RPT, RPT)])


BLK = 1000
NBLK = N // BLK


def _dinv(deg_ref):
    deg = deg_ref[0, :, :1] + deg_ref[1, :, :1] + 1.0
    return lax.rsqrt(deg)


def _tc_first(x_ref, wp_ref, bp_ref, w0_ref, deg_ref, g_ref):
    dinv = _dinv(deg_ref)
    h = jnp.dot(x_ref[...], wp_ref[...].T, preferred_element_type=jnp.float32)
    h = h + bp_ref[...]
    g_ref[...] = dinv * jnp.dot(h, w0_ref[...].T, preferred_element_type=jnp.float32)


def _tc_mid(acc_ref, g_ref, deg_ref, b_ref, w_ref, o_ref):
    dinv = _dinv(deg_ref)
    tot = acc_ref[0] + acc_ref[1] + g_ref[...]
    h = jnp.maximum(dinv * tot + b_ref[...], 0.0)
    o_ref[...] = dinv * jnp.dot(h, w_ref[...].T, preferred_element_type=jnp.float32)


def _tc_final(acc_ref, g_ref, deg_ref, b_ref, wo_ref, bo_ref, o_ref):
    dinv = _dinv(deg_ref)
    tot = acc_ref[0] + acc_ref[1] + g_ref[...]
    h = jnp.maximum(dinv * tot + b_ref[...], 0.0)
    o_ref[...] = jnp.dot(h, wo_ref[...].T, preferred_element_type=jnp.float32)
    o_ref[...] += bo_ref[...]


def _row_spec(width):
    return pl.BlockSpec((BLK, width), lambda i: (i, 0))


def _bcast_spec(shape):
    nd = len(shape)
    return pl.BlockSpec(shape, lambda i, _n=nd: (0,) * _n)


_DEG_SPEC = pl.BlockSpec((NC, BLK, C), lambda i: (0, i, 0))
_ACC_SPEC = pl.BlockSpec((NC, BLK, C), lambda i: (0, i, 0))


def kernel(x, edge_index, Wp, bp, W0, b0, W1, b1, W2, b2, Wo, bo):
    row = edge_index[0].astype(jnp.int32)
    col = edge_index[1].astype(jnp.int32)
    npad = E_PAD - E
    rowf = jnp.concatenate([row, jnp.zeros((npad,), jnp.int32)])
    colf = jnp.concatenate([col, jnp.full((npad,), N, jnp.int32)])
    colp = colf.reshape(NW, NCHUNK, K)
    na = NS * CH_A * K
    rowa = rowf[:na].reshape(NS, CH_A, K)
    cola = colf[:na].reshape(NS, CH_A, K)
    rowb = rowf[na:].reshape(NS, CH_B, K)
    colb = colf[na:].reshape(NS, CH_B, K)
    onesC = jnp.ones((K, C), jnp.float32)
    zerosC = jnp.zeros((RPT, C), jnp.float32)
    bp2 = bp.reshape(1, C)
    b0_2 = b0.reshape(1, C)
    b1_2 = b1.reshape(1, C)
    b2_2 = b2.reshape(1, C)
    bo2 = bo.reshape(1, OUTC)

    degp = _sc_degree(colp, onesC, zerosC)

    g0 = pl.pallas_call(
        _tc_first,
        grid=(NBLK,),
        in_specs=[
            _row_spec(C),
            _bcast_spec((C, C)),
            _bcast_spec((1, C)),
            _bcast_spec((C, C)),
            _DEG_SPEC,
        ],
        out_specs=_row_spec(C),
        out_shape=jax.ShapeDtypeStruct((N, C), jnp.float32),
    )(x, Wp, bp2, W0, degp)

    g = g0
    for Wn, bn in ((W1, b0_2), (W2, b1_2)):
        accp = _sc_scatter(g, rowa, cola, rowb, colb, zerosC)
        g = pl.pallas_call(
            _tc_mid,
            grid=(NBLK,),
            in_specs=[
                _ACC_SPEC,
                _row_spec(C),
                _DEG_SPEC,
                _bcast_spec((1, C)),
                _bcast_spec((C, C)),
            ],
            out_specs=_row_spec(C),
            out_shape=jax.ShapeDtypeStruct((N, C), jnp.float32),
        )(accp, g, degp, bn, Wn)

    accp = _sc_scatter(g, rowa, cola, rowb, colb, zerosC)
    out = pl.pallas_call(
        _tc_final,
        grid=(NBLK,),
        in_specs=[
            _ACC_SPEC,
            _row_spec(C),
            _DEG_SPEC,
            _bcast_spec((1, C)),
            _bcast_spec((OUTC, C)),
            _bcast_spec((1, OUTC)),
        ],
        out_specs=_row_spec(OUTC),
        out_shape=jax.ShapeDtypeStruct((N, OUTC), jnp.float32),
    )(accp, g, degp, b2_2, Wo, bo2)
    return out

# --- scband reference (transcript-rebuilt; emitter-appended) ---
"""Pipeline reference for scband-gcn-730144440424 (READ-ONLY COPY).

The authoritative reference and input builder live on the scoring server;
editing this copy changes nothing except your own understanding.
"""

import jax, jax.numpy as jnp
import numpy as np

N = 10000
E = 320000
IN_C = 128
HID_C = 128
OUT_C = 64
NUM_LAYERS = 3


def setup_inputs(seed: int = 0) -> dict:
    key = jax.random.key(seed)
    ks = jax.random.split(key, 16)
    x = jax.random.normal(ks[0], (N, IN_C), dtype=jnp.float32)
    edge_index = jax.random.randint(ks[1], (2, E), 0, N).astype(jnp.int64)
    inp = {"x": x, "edge_index": edge_index}
    # proj: Linear(in_c, hid_c)
    inp["Wp"] = jax.random.normal(ks[2], (HID_C, IN_C), dtype=jnp.float32) / np.sqrt(IN_C)
    inp["bp"] = jnp.zeros((HID_C,), dtype=jnp.float32)
    # GCNConv layers (hid_c -> hid_c)
    for i in range(NUM_LAYERS):
        inp[f"W{i}"] = jax.random.normal(ks[3 + i], (HID_C, HID_C), dtype=jnp.float32) / np.sqrt(HID_C)
        inp[f"b{i}"] = jnp.zeros((HID_C,), dtype=jnp.float32)
    # out: Linear(hid_c, out_c)
    inp["Wo"] = jax.random.normal(ks[10], (OUT_C, HID_C), dtype=jnp.float32) / np.sqrt(HID_C)
    inp["bo"] = jnp.zeros((OUT_C,), dtype=jnp.float32)
    return inp


def _gcn_conv(h, edge_index, W, b):
    # PyG GCNConv: add self-loops, symmetric degree normalization, linear, scatter-add
    row = edge_index[0]
    col = edge_index[1]
    loop = jnp.arange(N, dtype=row.dtype)
    row = jnp.concatenate([row, loop])
    col = jnp.concatenate([col, loop])
    h = h @ W.T
    deg = jnp.zeros((N,), dtype=h.dtype).at[col].add(1.0)
    dinv = jnp.where(deg > 0, deg ** -0.5, 0.0)
    norm = dinv[row] * dinv[col]
    msg = h[row] * norm[:, None]
    out = jnp.zeros((N, h.shape[1]), dtype=h.dtype).at[col].add(msg)
    return out + b


def reference(x, edge_index, Wp, bp, W0, b0, W1, b1, W2, b2, Wo, bo):
    h = x @ Wp.T + bp
    convs = ((W0, b0), (W1, b1), (W2, b2))
    for i, (W, b) in enumerate(convs):
        h = jax.nn.relu(_gcn_conv(h, edge_index, W, b))
        # dropout omitted (eval mode / deterministic reference)
    return h @ Wo.T + bo

if __name__ == "__main__":
    import jax
    _d = setup_inputs()
    print(jax.jit(kernel)(*tuple(_d.values())))

</pallas_src>

<mosaic_0001>
#map = affine_map<(d0, d1) -> (0, 0)>
#map1 = affine_map<(d0, d1) -> (0, 0, 0)>
module attributes {stable_mosaic.version = 14 : i64} {
  func.func @_sc_scatter(%arg0: i32, %arg1: i32, %arg2: memref<10000x128xf32, #tpu.memory_space<hbm>>, %arg3: memref<16x102x128xi32, #tpu.memory_space<hbm>>, %arg4: memref<16x102x128xi32, #tpu.memory_space<hbm>>, %arg5: memref<16x56x128xi32, #tpu.memory_space<hbm>>, %arg6: memref<16x56x128xi32, #tpu.memory_space<hbm>>, %arg7: memref<632x128xf32, #tpu.memory_space<hbm>>, %arg8: memref<2x10112x128xf32, #tpu.memory_space<hbm>>, %arg9: memref<102x128xi32, #tpu.memory_space<vmem>>, %arg10: memref<102x128xi32, #tpu.memory_space<vmem>>, %arg11: memref<128x128xf32, #tpu.memory_space<vmem>>, %arg12: memref<10112x128xf32, #tpu.memory_space<vmem_shared>>, %arg13: memref<!tpu.dma_semaphore, #tpu.memory_space<semaphore_mem>>) attributes {dimension_semantics = [#tpu.dimension_semantics<core_parallel>, #tpu.dimension_semantics<subcore_parallel>], iteration_bounds = array<i64: 2, 16>, scalar_prefetch = 0 : i64, scratch_operands = 5 : i64, tpu.core_type = #tpu.core_type<sc_vector_subcore>, window_params = [{transform_indices = #map}, {transform_indices = #map1}, {transform_indices = #map1}, {transform_indices = #map1}, {transform_indices = #map1}, {transform_indices = #map}, {transform_indices = #map1}]} {
    %mul3A = arith.constant 632 : i32
    %mul3A_0 = arith.muli %arg1, %mul3A : i32
    "tpu.region"() ({
      %run_scoped3A = tpu.sem_alloc : memref<!tpu.dma_semaphore, #tpu.memory_space<semaphore_mem>>
      %dma_start3A = arith.constant 0 : i32
      %dma_start3A_13 = tpu.memref_slice %arg12[%mul3A_0, %dma_start3A] : memref<10112x128xf32, #tpu.memory_space<vmem_shared>> -> memref<632x128xf32, #tpu.memory_space<vmem_shared>>
      tpu.enqueue_dma source(%arg7 : memref<632x128xf32, #tpu.memory_space<hbm>>) target(%dma_start3A_13 : memref<632x128xf32, #tpu.memory_space<vmem_shared>>) target_semaphore(%run_scoped3A : memref<!tpu.dma_semaphore, #tpu.memory_space<semaphore_mem>>)
      %dma_wait3A = arith.constant 0 : i32
      %dma_wait3A_14 = tpu.memref_slice %arg12[%mul3A_0, %dma_wait3A] : memref<10112x128xf32, #tpu.memory_space<vmem_shared>> -> memref<632x128xf32, #tpu.memory_space<vmem_shared>>
      tpu.wait_dma2 semaphore(%run_scoped3A : memref<!tpu.dma_semaphore, #tpu.memory_space<semaphore_mem>>) src(%arg7 : memref<632x128xf32, #tpu.memory_space<hbm>>) dst(%dma_wait3A_14 : memref<632x128xf32, #tpu.memory_space<vmem_shared>>)
      tpu.yield
    }) : () -> ()
    %barrier3A = arith.constant 0 : index
    tpu.barrier barrier_id(%barrier3A)
    %eq3A = arith.constant 0 : i32
    %eq3A_1 = arith.cmpi eq, %arg0, %eq3A : i32
    %convert_element_type3A = arith.extui %eq3A_1 : i1 to i32
    %cond3A = arith.constant 0 : i32
    %cond3A_2 = arith.cmpi ne, %convert_element_type3A, %cond3A : i32
    scf.if %cond3A_2 {
      "tpu.region"() ({
        %run_scoped3A = tpu.sem_alloc : memref<!tpu.dma_semaphore, #tpu.memory_space<semaphore_mem>>
        %dma_start3A = arith.constant 0 : i32
        %dma_start3A_18 = arith.constant 0 : i32
        %dma_start3A_19 = tpu.memref_slice %arg3[%arg1, %dma_start3A, %dma_start3A_18] : memref<16x102x128xi32, #tpu.memory_space<hbm>> -> memref<1x102x128xi32, #tpu.memory_space<hbm>>
        %dma_start3A_20 = tpu.memref_squeeze %dma_start3A_19 : memref<1x102x128xi32, #tpu.memory_space<hbm>> -> memref<102x128xi32, #tpu.memory_space<hbm>>
        %dma_start3A_21 = arith.constant 0 : i32
        %dma_start3A_22 = arith.constant 0 : i32
        %dma_start3A_23 = tpu.memref_slice %arg3[%arg1, %dma_start3A_21, %dma_start3A_22] : memref<16x102x128xi32, #tpu.memory_space<hbm>> -> memref<1x102x128xi32, #tpu.memory_space<hbm>>
        %dma_start3A_24 = tpu.memref_squeeze %dma_start3A_23 : memref<1x102x128xi32, #tpu.memory_space<hbm>> -> memref<102x128xi32, #tpu.memory_space<hbm>>
        tpu.enqueue_dma source(%dma_start3A_24 : memref<102x128xi32, #tpu.memory_space<hbm>>) target(%arg9 : memref<102x128xi32, #tpu.memory_space<vmem>>) target_semaphore(%run_scoped3A : memref<!tpu.dma_semaphore, #tpu.memory_space<semaphore_mem>>)
        %dma_wait3A = arith.constant 0 : i32
        %dma_wait3A_25 = arith.constant 0 : i32
        %dma_wait3A_26 = tpu.memref_slice %arg3[%arg1, %dma_wait3A, %dma_wait3A_25] : memref<16x102x128xi32, #tpu.memory_space<hbm>> -> memref<1x102x128xi32, #tpu.memory_space<hbm>>
        %dma_wait3A_27 = tpu.memref_squeeze %dma_wait3A_26 : memref<1x102x128xi32, #tpu.memory_space<hbm>> -> memref<102x128xi32, #tpu.memory_space<hbm>>
        %dma_wait3A_28 = arith.constant 0 : i32
        %dma_wait3A_29 = arith.constant 0 : i32
        %dma_wait3A_30 = tpu.memref_slice %arg3[%arg1, %dma_wait3A_28, %dma_wait3A_29] : memref<16x102x128xi32, #tpu.memory_space<hbm>> -> memref<1x102x128xi32, #tpu.memory_space<hbm>>
        %dma_wait3A_31 = tpu.memref_squeeze %dma_wait3A_30 : memref<1x102x128xi32, #tpu.memory_space<hbm>> -> memref<102x128xi32, #tpu.memory_space<hbm>>
        tpu.wait_dma2 semaphore(%run_scoped3A : memref<!tpu.dma_semaphore, #tpu.memory_space<semaphore_mem>>) src(%dma_wait3A_31 : memref<102x128xi32, #tpu.memory_space<hbm>>) dst(%arg9 : memref<102x128xi32, #tpu.memory_space<vmem>>)
        tpu.yield
      }) : () -> ()
      "tpu.region"() ({
        %run_scoped3A = tpu.sem_alloc : memref<!tpu.dma_semaphore, #tpu.memory_space<semaphore_mem>>
        %dma_start3A = arith.constant 0 : i32
        %dma_start3A_18 = arith.constant 0 : i32
        %dma_start3A_19 = tpu.memref_slice %arg4[%arg1, %dma_start3A, %dma_start3A_18] : memref<16x102x128xi32, #tpu.memory_space<hbm>> -> memref<1x102x128xi32, #tpu.memory_space<hbm>>
        %dma_start3A_20 = tpu.memref_squeeze %dma_start3A_19 : memref<1x102x128xi32, #tpu.memory_space<hbm>> -> memref<102x128xi32, #tpu.memory_space<hbm>>
        %dma_start3A_21 = arith.constant 0 : i32
        %dma_start3A_22 = arith.constant 0 : i32
        %dma_start3A_23 = tpu.memref_slice %arg4[%arg1, %dma_start3A_21, %dma_start3A_22] : memref<16x102x128xi32, #tpu.memory_space<hbm>> -> memref<1x102x128xi32, #tpu.memory_space<hbm>>
        %dma_start3A_24 = tpu.memref_squeeze %dma_start3A_23 : memref<1x102x128xi32, #tpu.memory_space<hbm>> -> memref<102x128xi32, #tpu.memory_space<hbm>>
        tpu.enqueue_dma source(%dma_start3A_24 : memref<102x128xi32, #tpu.memory_space<hbm>>) target(%arg10 : memref<102x128xi32, #tpu.memory_space<vmem>>) target_semaphore(%run_scoped3A : memref<!tpu.dma_semaphore, #tpu.memory_space<semaphore_mem>>)
        %dma_wait3A = arith.constant 0 : i32
        %dma_wait3A_25 = arith.constant 0 : i32
        %dma_wait3A_26 = tpu.memref_slice %arg4[%arg1, %dma_wait3A, %dma_wait3A_25] : memref<16x102x128xi32, #tpu.memory_space<hbm>> -> memref<1x102x128xi32, #tpu.memory_space<hbm>>
        %dma_wait3A_27 = tpu.memref_squeeze %dma_wait3A_26 : memref<1x102x128xi32, #tpu.memory_space<hbm>> -> memref<102x128xi32, #tpu.memory_space<hbm>>
        %dma_wait3A_28 = arith.constant 0 : i32
        %dma_wait3A_29 = arith.constant 0 : i32
        %dma_wait3A_30 = tpu.memref_slice %arg4[%arg1, %dma_wait3A_28, %dma_wait3A_29] : memref<16x102x128xi32, #tpu.memory_space<hbm>> -> memref<1x102x128xi32, #tpu.memory_space<hbm>>
        %dma_wait3A_31 = tpu.memref_squeeze %dma_wait3A_30 : memref<1x102x128xi32, #tpu.memory_space<hbm>> -> memref<102x128xi32, #tpu.memory_space<hbm>>
        tpu.wait_dma2 semaphore(%run_scoped3A : memref<!tpu.dma_semaphore, #tpu.memory_space<semaphore_mem>>) src(%dma_wait3A_31 : memref<102x128xi32, #tpu.memory_space<hbm>>) dst(%arg10 : memref<102x128xi32, #tpu.memory_space<vmem>>)
        tpu.yield
      }) : () -> ()
      %scan3A = arith.constant 0 : i32
      %scan3A_13 = arith.constant 0 : i32
      %scan3A_14 = arith.constant 102 : i32
      %scan3A_15 = arith.addi %scan3A_13, %scan3A_14 : i32
      %scan3A_16 = arith.constant 1 : i32
      scf.for %scan3A_18 = %scan3A_13 to %scan3A_15 step %scan3A_16  : i32 {
        %dma_start3A = arith.constant 0 : i32
        %dma_start3A_19 = tpu.memref_slice %arg9[%scan3A_18, %dma_start3A] : memref<102x128xi32, #tpu.memory_space<vmem>> -> memref<1x128xi32, #tpu.memory_space<vmem>>
        %dma_start3A_20 = tpu.memref_squeeze %dma_start3A_19 : memref<1x128xi32, #tpu.memory_space<vmem>> -> memref<128xi32, #tpu.memory_space<vmem>>
        %dma_start3A_21 = arith.constant 0 : i32
        %dma_start3A_22 = arith.constant 0 : i32
        %dma_start3A_23 = tpu.memref_slice %arg2[%dma_start3A_21, %dma_start3A_22] : memref<10000x128xf32, #tpu.memory_space<hbm>> -> memref<10000x128xf32, #tpu.memory_space<hbm>>
        tpu.enqueue_indirect_dma source(%dma_start3A_23 : memref<10000x128xf32, #tpu.memory_space<hbm>>) target(%arg11 : memref<128x128xf32, #tpu.memory_space<vmem>>) offsets(%dma_start3A_20 : memref<128xi32, #tpu.memory_space<vmem>>) semaphore(%arg13 : memref<!tpu.dma_semaphore, #tpu.memory_space<semaphore_mem>>)
        %dma_wait3A = arith.constant 0 : i32
        %dma_wait3A_24 = tpu.memref_slice %arg9[%scan3A_18, %dma_wait3A] : memref<102x128xi32, #tpu.memory_space<vmem>> -> memref<1x128xi32, #tpu.memory_space<vmem>>
        %dma_wait3A_25 = tpu.memref_squeeze %dma_wait3A_24 : memref<1x128xi32, #tpu.memory_space<vmem>> -> memref<128xi32, #tpu.memory_space<vmem>>
        %dma_wait3A_26 = arith.constant 0 : i32
        %dma_wait3A_27 = arith.constant 0 : i32
        %dma_wait3A_28 = tpu.memref_slice %arg2[%dma_wait3A_26, %dma_wait3A_27] : memref<10000x128xf32, #tpu.memory_space<hbm>> -> memref<10000x128xf32, #tpu.memory_space<hbm>>
        tpu.wait_indirect_dma semaphore(%arg13 : memref<!tpu.dma_semaphore, #tpu.memory_space<semaphore_mem>>) src(%dma_wait3A_28 : memref<10000x128xf32, #tpu.memory_space<hbm>>) dst(%arg11 : memref<128x128xf32, #tpu.memory_space<vmem>>)
        "tpu.region"() ({
          %run_scoped3A = tpu.sem_alloc : memref<!tpu.dma_semaphore, #tpu.memory_space<semaphore_mem>>
          %dma_start3A_29 = arith.constant 0 : i32
          %dma_start3A_30 = tpu.memref_slice %arg10[%scan3A_18, %dma_start3A_29] : memref<102x128xi32, #tpu.memory_space<vmem>> -> memref<1x128xi32, #tpu.memory_space<vmem>>
          %dma_start3A_31 = tpu.memref_squeeze %dma_start3A_30 : memref<1x128xi32, #tpu.memory_space<vmem>> -> memref<128xi32, #tpu.memory_space<vmem>>
          %dma_start3A_32 = arith.constant 0 : i32
          %dma_start3A_33 = arith.constant 0 : i32
          %dma_start3A_34 = tpu.memref_slice %arg12[%dma_start3A_32, %dma_start3A_33] : memref<10112x128xf32, #tpu.memory_space<vmem_shared>> -> memref<10112x128xf32, #tpu.memory_space<vmem_shared>>
          tpu.enqueue_indirect_dma source(%arg11 : memref<128x128xf32, #tpu.memory_space<vmem>>) target(%dma_start3A_34 : memref<10112x128xf32, #tpu.memory_space<vmem_shared>>) offsets(%dma_start3A_31 : memref<128xi32, #tpu.memory_space<vmem>>) semaphore(%run_scoped3A : memref<!tpu.dma_semaphore, #tpu.memory_space<semaphore_mem>>) {add = true}
          %dma_wait3A_35 = arith.constant 0 : i32
          %dma_wait3A_36 = tpu.memref_slice %arg10[%scan3A_18, %dma_wait3A_35] : memref<102x128xi32, #tpu.memory_space<vmem>> -> memref<1x128xi32, #tpu.memory_space<vmem>>
          %dma_wait3A_37 = tpu.memref_squeeze %dma_wait3A_36 : memref<1x128xi32, #tpu.memory_space<vmem>> -> memref<128xi32, #tpu.memory_space<vmem>>
          %dma_wait3A_38 = arith.constant 0 : i32
          %dma_wait3A_39 = arith.constant 0 : i32
          %dma_wait3A_40 = tpu.memref_slice %arg12[%dma_wait3A_38, %dma_wait3A_39] : memref<10112x128xf32, #tpu.memory_space<vmem_shared>> -> memref<10112x128xf32, #tpu.memory_space<vmem_shared>>
          tpu.wait_indirect_dma semaphore(%run_scoped3A : memref<!tpu.dma_semaphore, #tpu.memory_space<semaphore_mem>>) src(%arg11 : memref<128x128xf32, #tpu.memory_space<vmem>>) dst(%dma_wait3A_40 : memref<10112x128xf32, #tpu.memory_space<vmem_shared>>)
          tpu.yield
        }) : () -> ()
      }
      %scan3A_17 = arith.constant 102 : i32
    } else {
    }
    %eq3A_3 = arith.constant 1 : i32
    %eq3A_4 = arith.cmpi eq, %arg0, %eq3A_3 : i32
    %convert_element_type3A_5 = arith.extui %eq3A_4 : i1 to i32
    %cond3A_6 = arith.constant 0 : i32
    %cond3A_7 = arith.cmpi ne, %convert_element_type3A_5, %cond3A_6 : i32
    scf.if %cond3A_7 {
      "tpu.region"() ({
        %run_scoped3A = tpu.sem_alloc : memref<!tpu.dma_semaphore, #tpu.memory_space<semaphore_mem>>
        %dma_start3A = arith.constant 0 : i32
        %dma_start3A_18 = arith.constant 0 : i32
        %dma_start3A_19 = tpu.memref_slice %arg9[%dma_start3A, %dma_start3A_18] : memref<102x128xi32, #tpu.memory_space<vmem>> -> memref<56x128xi32, #tpu.memory_space<vmem>>
        %dma_start3A_20 = arith.constant 0 : i32
        %dma_start3A_21 = arith.constant 0 : i32
        %dma_start3A_22 = tpu.memref_slice %arg5[%arg1, %dma_start3A_20, %dma_start3A_21] : memref<16x56x128xi32, #tpu.memory_space<hbm>> -> memref<1x56x128xi32, #tpu.memory_space<hbm>>
        %dma_start3A_23 = tpu.memref_squeeze %dma_start3A_22 : memref<1x56x128xi32, #tpu.memory_space<hbm>> -> memref<56x128xi32, #tpu.memory_space<hbm>>
        %dma_start3A_24 = arith.constant 0 : i32
        %dma_start3A_25 = arith.constant 0 : i32
        %dma_start3A_26 = tpu.memref_slice %arg9[%dma_start3A_24, %dma_start3A_25] : memref<102x128xi32, #tpu.memory_space<vmem>> -> memref<56x128xi32, #tpu.memory_space<vmem>>
        %dma_start3A_27 = arith.constant 0 : i32
        %dma_start3A_28 = arith.constant 0 : i32
        %dma_start3A_29 = tpu.memref_slice %arg5[%arg1, %dma_start3A_27, %dma_start3A_28] : memref<16x56x128xi32, #tpu.memory_space<hbm>> -> memref<1x56x128xi32, #tpu.memory_space<hbm>>
        %dma_start3A_30 = tpu.memref_squeeze %dma_start3A_29 : memref<1x56x128xi32, #tpu.memory_space<hbm>> -> memref<56x128xi32, #tpu.memory_space<hbm>>
        tpu.enqueue_dma source(%dma_start3A_30 : memref<56x128xi32, #tpu.memory_space<hbm>>) target(%dma_start3A_26 : memref<56x128xi32, #tpu.memory_space<vmem>>) target_semaphore(%run_scoped3A : memref<!tpu.dma_semaphore, #tpu.memory_space<semaphore_mem>>)
        %dma_wait3A = arith.constant 0 : i32
        %dma_wait3A_31 = arith.constant 0 : i32
        %dma_wait3A_32 = tpu.memref_slice %arg9[%dma_wait3A, %dma_wait3A_31] : memref<102x128xi32, #tpu.memory_space<vmem>> -> memref<56x128xi32, #tpu.memory_space<vmem>>
        %dma_wait3A_33 = arith.constant 0 : i32
        %dma_wait3A_34 = arith.constant 0 : i32
        %dma_wait3A_35 = tpu.memref_slice %arg5[%arg1, %dma_wait3A_33, %dma_wait3A_34] : memref<16x56x128xi32, #tpu.memory_space<hbm>> -> memref<1x56x128xi32, #tpu.memory_space<hbm>>
        %dma_wait3A_36 = tpu.memref_squeeze %dma_wait3A_35 : memref<1x56x128xi32, #tpu.memory_space<hbm>> -> memref<56x128xi32, #tpu.memory_space<hbm>>
        %dma_wait3A_37 = arith.constant 0 : i32
        %dma_wait3A_38 = arith.constant 0 : i32
        %dma_wait3A_39 = tpu.memref_slice %arg9[%dma_wait3A_37, %dma_wait3A_38] : memref<102x128xi32, #tpu.memory_space<vmem>> -> memref<56x128xi32, #tpu.memory_space<vmem>>
        %dma_wait3A_40 = arith.constant 0 : i32
        %dma_wait3A_41 = arith.constant 0 : i32
        %dma_wait3A_42 = tpu.memref_slice %arg5[%arg1, %dma_wait3A_40, %dma_wait3A_41] : memref<16x56x128xi32, #tpu.memory_space<hbm>> -> memref<1x56x128xi32, #tpu.memory_space<hbm>>
        %dma_wait3A_43 = tpu.memref_squeeze %dma_wait3A_42 : memref<1x56x128xi32, #tpu.memory_space<hbm>> -> memref<56x128xi32, #tpu.memory_space<hbm>>
        tpu.wait_dma2 semaphore(%run_scoped3A : memref<!tpu.dma_semaphore, #tpu.memory_space<semaphore_mem>>) src(%dma_wait3A_43 : memref<56x128xi32, #tpu.memory_space<hbm>>) dst(%dma_wait3A_39 : memref<56x128xi32, #tpu.memory_space<vmem>>)
        tpu.yield
      }) : () -> ()
      "tpu.region"() ({
        %run_scoped3A = tpu.sem_alloc : memref<!tpu.dma_semaphore, #tpu.memory_space<semaphore_mem>>
        %dma_start3A = arith.constant 0 : i32
        %dma_start3A_18 = arith.constant 0 : i32
        %dma_start3A_19 = tpu.memref_slice %arg10[%dma_start3A, %dma_start3A_18] : memref<102x128xi32, #tpu.memory_space<vmem>> -> memref<56x128xi32, #tpu.memory_space<vmem>>
        %dma_start3A_20 = arith.constant 0 : i32
        %dma_start3A_21 = arith.constant 0 : i32
        %dma_start3A_22 = tpu.memref_slice %arg6[%arg1, %dma_start3A_20, %dma_start3A_21] : memref<16x56x128xi32, #tpu.memory_space<hbm>> -> memref<1x56x128xi32, #tpu.memory_space<hbm>>
        %dma_start3A_23 = tpu.memref_squeeze %dma_start3A_22 : memref<1x56x128xi32, #tpu.memory_space<hbm>> -> memref<56x128xi32, #tpu.memory_space<hbm>>
        %dma_start3A_24 = arith.constant 0 : i32
        %dma_start3A_25 = arith.constant 0 : i32
        %dma_start3A_26 = tpu.memref_slice %arg10[%dma_start3A_24, %dma_start3A_25] : memref<102x128xi32, #tpu.memory_space<vmem>> -> memref<56x128xi32, #tpu.memory_space<vmem>>
        %dma_start3A_27 = arith.constant 0 : i32
        %dma_start3A_28 = arith.constant 0 : i32
        %dma_start3A_29 = tpu.memref_slice %arg6[%arg1, %dma_start3A_27, %dma_start3A_28] : memref<16x56x128xi32, #tpu.memory_space<hbm>> -> memref<1x56x128xi32, #tpu.memory_space<hbm>>
        %dma_start3A_30 = tpu.memref_squeeze %dma_start3A_29 : memref<1x56x128xi32, #tpu.memory_space<hbm>> -> memref<56x128xi32, #tpu.memory_space<hbm>>
        tpu.enqueue_dma source(%dma_start3A_30 : memref<56x128xi32, #tpu.memory_space<hbm>>) target(%dma_start3A_26 : memref<56x128xi32, #tpu.memory_space<vmem>>) target_semaphore(%run_scoped3A : memref<!tpu.dma_semaphore, #tpu.memory_space<semaphore_mem>>)
        %dma_wait3A = arith.constant 0 : i32
        %dma_wait3A_31 = arith.constant 0 : i32
        %dma_wait3A_32 = tpu.memref_slice %arg10[%dma_wait3A, %dma_wait3A_31] : memref<102x128xi32, #tpu.memory_space<vmem>> -> memref<56x128xi32, #tpu.memory_space<vmem>>
        %dma_wait3A_33 = arith.constant 0 : i32
        %dma_wait3A_34 = arith.constant 0 : i32
        %dma_wait3A_35 = tpu.memref_slice %arg6[%arg1, %dma_wait3A_33, %dma_wait3A_34] : memref<16x56x128xi32, #tpu.memory_space<hbm>> -> memref<1x56x128xi32, #tpu.memory_space<hbm>>
        %dma_wait3A_36 = tpu.memref_squeeze %dma_wait3A_35 : memref<1x56x128xi32, #tpu.memory_space<hbm>> -> memref<56x128xi32, #tpu.memory_space<hbm>>
        %dma_wait3A_37 = arith.constant 0 : i32
        %dma_wait3A_38 = arith.constant 0 : i32
        %dma_wait3A_39 = tpu.memref_slice %arg10[%dma_wait3A_37, %dma_wait3A_38] : memref<102x128xi32, #tpu.memory_space<vmem>> -> memref<56x128xi32, #tpu.memory_space<vmem>>
        %dma_wait3A_40 = arith.constant 0 : i32
        %dma_wait3A_41 = arith.constant 0 : i32
        %dma_wait3A_42 = tpu.memref_slice %arg6[%arg1, %dma_wait3A_40, %dma_wait3A_41] : memref<16x56x128xi32, #tpu.memory_space<hbm>> -> memref<1x56x128xi32, #tpu.memory_space<hbm>>
        %dma_wait3A_43 = tpu.memref_squeeze %dma_wait3A_42 : memref<1x56x128xi32, #tpu.memory_space<hbm>> -> memref<56x128xi32, #tpu.memory_space<hbm>>
        tpu.wait_dma2 semaphore(%run_scoped3A : memref<!tpu.dma_semaphore, #tpu.memory_space<semaphore_mem>>) src(%dma_wait3A_43 : memref<56x128xi32, #tpu.memory_space<hbm>>) dst(%dma_wait3A_39 : memref<56x128xi32, #tpu.memory_space<vmem>>)
        tpu.yield
      }) : () -> ()
      %scan3A = arith.constant 0 : i32
      %scan3A_13 = arith.constant 0 : i32
      %scan3A_14 = arith.constant 56 : i32
      %scan3A_15 = arith.addi %scan3A_13, %scan3A_14 : i32
      %scan3A_16 = arith.constant 1 : i32
      scf.for %scan3A_18 = %scan3A_13 to %scan3A_15 step %scan3A_16  : i32 {
        %dma_start3A = arith.constant 0 : i32
        %dma_start3A_19 = tpu.memref_slice %arg9[%scan3A_18, %dma_start3A] : memref<102x128xi32, #tpu.memory_space<vmem>> -> memref<1x128xi32, #tpu.memory_space<vmem>>
        %dma_start3A_20 = tpu.memref_squeeze %dma_start3A_19 : memref<1x128xi32, #tpu.memory_space<vmem>> -> memref<128xi32, #tpu.memory_space<vmem>>
        %dma_start3A_21 = arith.constant 0 : i32
        %dma_start3A_22 = arith.constant 0 : i32
        %dma_start3A_23 = tpu.memref_slice %arg2[%dma_start3A_21, %dma_start3A_22] : memref<10000x128xf32, #tpu.memory_space<hbm>> -> memref<10000x128xf32, #tpu.memory_space<hbm>>
        tpu.enqueue_indirect_dma source(%dma_start3A_23 : memref<10000x128xf32, #tpu.memory_space<hbm>>) target(%arg11 : memref<128x128xf32, #tpu.memory_space<vmem>>) offsets(%dma_start3A_20 : memref<128xi32, #tpu.memory_space<vmem>>) semaphore(%arg13 : memref<!tpu.dma_semaphore, #tpu.memory_space<semaphore_mem>>)
        %dma_wait3A = arith.constant 0 : i32
        %dma_wait3A_24 = tpu.memref_slice %arg9[%scan3A_18, %dma_wait3A] : memref<102x128xi32, #tpu.memory_space<vmem>> -> memref<1x128xi32, #tpu.memory_space<vmem>>
        %dma_wait3A_25 = tpu.memref_squeeze %dma_wait3A_24 : memref<1x128xi32, #tpu.memory_space<vmem>> -> memref<128xi32, #tpu.memory_space<vmem>>
        %dma_wait3A_26 = arith.constant 0 : i32
        %dma_wait3A_27 = arith.constant 0 : i32
        %dma_wait3A_28 = tpu.memref_slice %arg2[%dma_wait3A_26, %dma_wait3A_27] : memref<10000x128xf32, #tpu.memory_space<hbm>> -> memref<10000x128xf32, #tpu.memory_space<hbm>>
        tpu.wait_indirect_dma semaphore(%arg13 : memref<!tpu.dma_semaphore, #tpu.memory_space<semaphore_mem>>) src(%dma_wait3A_28 : memref<10000x128xf32, #tpu.memory_space<hbm>>) dst(%arg11 : memref<128x128xf32, #tpu.memory_space<vmem>>)
        "tpu.region"() ({
          %run_scoped3A = tpu.sem_alloc : memref<!tpu.dma_semaphore, #tpu.memory_space<semaphore_mem>>
          %dma_start3A_29 = arith.constant 0 : i32
          %dma_start3A_30 = tpu.memref_slice %arg10[%scan3A_18, %dma_start3A_29] : memref<102x128xi32, #tpu.memory_space<vmem>> -> memref<1x128xi32, #tpu.memory_space<vmem>>
          %dma_start3A_31 = tpu.memref_squeeze %dma_start3A_30 : memref<1x128xi32, #tpu.memory_space<vmem>> -> memref<128xi32, #tpu.memory_space<vmem>>
          %dma_start3A_32 = arith.constant 0 : i32
          %dma_start3A_33 = arith.constant 0 : i32
          %dma_start3A_34 = tpu.memref_slice %arg12[%dma_start3A_32, %dma_start3A_33] : memref<10112x128xf32, #tpu.memory_space<vmem_shared>> -> memref<10112x128xf32, #tpu.memory_space<vmem_shared>>
          tpu.enqueue_indirect_dma source(%arg11 : memref<128x128xf32, #tpu.memory_space<vmem>>) target(%dma_start3A_34 : memref<10112x128xf32, #tpu.memory_space<vmem_shared>>) offsets(%dma_start3A_31 : memref<128xi32, #tpu.memory_space<vmem>>) semaphore(%run_scoped3A : memref<!tpu.dma_semaphore, #tpu.memory_space<semaphore_mem>>) {add = true}
          %dma_wait3A_35 = arith.constant 0 : i32
          %dma_wait3A_36 = tpu.memref_slice %arg10[%scan3A_18, %dma_wait3A_35] : memref<102x128xi32, #tpu.memory_space<vmem>> -> memref<1x128xi32, #tpu.memory_space<vmem>>
          %dma_wait3A_37 = tpu.memref_squeeze %dma_wait3A_36 : memref<1x128xi32, #tpu.memory_space<vmem>> -> memref<128xi32, #tpu.memory_space<vmem>>
          %dma_wait3A_38 = arith.constant 0 : i32
          %dma_wait3A_39 = arith.constant 0 : i32
          %dma_wait3A_40 = tpu.memref_slice %arg12[%dma_wait3A_38, %dma_wait3A_39] : memref<10112x128xf32, #tpu.memory_space<vmem_shared>> -> memref<10112x128xf32, #tpu.memory_space<vmem_shared>>
          tpu.wait_indirect_dma semaphore(%run_scoped3A : memref<!tpu.dma_semaphore, #tpu.memory_space<semaphore_mem>>) src(%arg11 : memref<128x128xf32, #tpu.memory_space<vmem>>) dst(%dma_wait3A_40 : memref<10112x128xf32, #tpu.memory_space<vmem_shared>>)
          tpu.yield
        }) : () -> ()
      }
      %scan3A_17 = arith.constant 56 : i32
    } else {
    }
    %barrier3A_8 = arith.constant 0 : index
    tpu.barrier barrier_id(%barrier3A_8)
    %mul3A_9 = arith.constant 632 : i32
    %mul3A_10 = arith.muli %arg1, %mul3A_9 : i32
    %mul3A_11 = arith.constant 632 : i32
    %mul3A_12 = arith.muli %arg1, %mul3A_11 : i32
    "tpu.region"() ({
      %run_scoped3A = tpu.sem_alloc : memref<!tpu.dma_semaphore, #tpu.memory_space<semaphore_mem>>
      %dma_start3A = arith.constant 0 : i32
      %dma_start3A_13 = tpu.memref_slice %arg8[%arg0, %mul3A_12, %dma_start3A] : memref<2x10112x128xf32, #tpu.memory_space<hbm>> -> memref<1x632x128xf32, #tpu.memory_space<hbm>>
      %dma_start3A_14 = tpu.memref_squeeze %dma_start3A_13 : memref<1x632x128xf32, #tpu.memory_space<hbm>> -> memref<632x128xf32, #tpu.memory_space<hbm>>
      %dma_start3A_15 = arith.constant 0 : i32
      %dma_start3A_16 = tpu.memref_slice %arg12[%mul3A_10, %dma_start3A_15] : memref<10112x128xf32, #tpu.memory_space<vmem_shared>> -> memref<632x128xf32, #tpu.memory_space<vmem_shared>>
      tpu.enqueue_dma source(%dma_start3A_16 : memref<632x128xf32, #tpu.memory_space<vmem_shared>>) target(%dma_start3A_14 : memref<632x128xf32, #tpu.memory_space<hbm>>) target_semaphore(%run_scoped3A : memref<!tpu.dma_semaphore, #tpu.memory_space<semaphore_mem>>)
      %dma_wait3A = arith.constant 0 : i32
      %dma_wait3A_17 = tpu.memref_slice %arg8[%arg0, %mul3A_12, %dma_wait3A] : memref<2x10112x128xf32, #tpu.memory_space<hbm>> -> memref<1x632x128xf32, #tpu.memory_space<hbm>>
      %dma_wait3A_18 = tpu.memref_squeeze %dma_wait3A_17 : memref<1x632x128xf32, #tpu.memory_space<hbm>> -> memref<632x128xf32, #tpu.memory_space<hbm>>
      %dma_wait3A_19 = arith.constant 0 : i32
      %dma_wait3A_20 = tpu.memref_slice %arg12[%mul3A_10, %dma_wait3A_19] : memref<10112x128xf32, #tpu.memory_space<vmem_shared>> -> memref<632x128xf32, #tpu.memory_space<vmem_shared>>
      tpu.wait_dma2 semaphore(%run_scoped3A : memref<!tpu.dma_semaphore, #tpu.memory_space<semaphore_mem>>) src(%dma_wait3A_20 : memref<632x128xf32, #tpu.memory_space<vmem_shared>>) dst(%dma_wait3A_18 : memref<632x128xf32, #tpu.memory_space<hbm>>)
      tpu.yield
    }) : () -> ()
    return
  }
}

#map = affine_map<(d0, d1) -> (0, 0, 0)>
#map1 = affine_map<(d0, d1) -> (0, 0)>
module attributes {stable_mosaic.version = 14 : i64} {
  func.func @_sc_degree(%arg0: i32, %arg1: i32, %arg2: memref<32x79x128xi32, #tpu.memory_space<hbm>>, %arg3: memref<128x128xf32, #tpu.memory_space<hbm>>, %arg4: memref<632x128xf32, #tpu.memory_space<hbm>>, %arg5: memref<2x10112x128xf32, #tpu.memory_space<hbm>>, %arg6: memref<79x128xi32, #tpu.memory_space<vmem>>, %arg7: memref<128x128xf32, #tpu.memory_space<vmem>>, %arg8: memref<10112x128xf32, #tpu.memory_space<vmem_shared>>) attributes {dimension_semantics = [#tpu.dimension_semantics<core_parallel>, #tpu.dimension_semantics<subcore_parallel>], iteration_bounds = array<i64: 2, 16>, scalar_prefetch = 0 : i64, scratch_operands = 3 : i64, tpu.core_type = #tpu.core_type<sc_vector_subcore>, window_params = [{transform_indices = #map}, {transform_indices = #map1}, {transform_indices = #map1}, {transform_indices = #map}]} {
    %mul3A = arith.constant 16 : i32
    %mul3A_0 = arith.muli %arg0, %mul3A : i32
    %add3A = arith.addi %mul3A_0, %arg1 : i32
    %mul3A_1 = arith.constant 632 : i32
    %mul3A_2 = arith.muli %arg1, %mul3A_1 : i32
    "tpu.region"() ({
      %run_scoped3A = tpu.sem_alloc : memref<!tpu.dma_semaphore, #tpu.memory_space<semaphore_mem>>
      %dma_start3A = arith.constant 0 : i32
      %dma_start3A_13 = tpu.memref_slice %arg8[%mul3A_2, %dma_start3A] : memref<10112x128xf32, #tpu.memory_space<vmem_shared>> -> memref<632x128xf32, #tpu.memory_space<vmem_shared>>
      tpu.enqueue_dma source(%arg4 : memref<632x128xf32, #tpu.memory_space<hbm>>) target(%dma_start3A_13 : memref<632x128xf32, #tpu.memory_space<vmem_shared>>) target_semaphore(%run_scoped3A : memref<!tpu.dma_semaphore, #tpu.memory_space<semaphore_mem>>)
      %dma_wait3A = arith.constant 0 : i32
      %dma_wait3A_14 = tpu.memref_slice %arg8[%mul3A_2, %dma_wait3A] : memref<10112x128xf32, #tpu.memory_space<vmem_shared>> -> memref<632x128xf32, #tpu.memory_space<vmem_shared>>
      tpu.wait_dma2 semaphore(%run_scoped3A : memref<!tpu.dma_semaphore, #tpu.memory_space<semaphore_mem>>) src(%arg4 : memref<632x128xf32, #tpu.memory_space<hbm>>) dst(%dma_wait3A_14 : memref<632x128xf32, #tpu.memory_space<vmem_shared>>)
      tpu.yield
    }) : () -> ()
    "tpu.region"() ({
      %run_scoped3A = tpu.sem_alloc : memref<!tpu.dma_semaphore, #tpu.memory_space<semaphore_mem>>
      %dma_start3A = arith.constant 0 : i32
      %dma_start3A_13 = arith.constant 0 : i32
      %dma_start3A_14 = tpu.memref_slice %arg2[%add3A, %dma_start3A, %dma_start3A_13] : memref<32x79x128xi32, #tpu.memory_space<hbm>> -> memref<1x79x128xi32, #tpu.memory_space<hbm>>
      %dma_start3A_15 = tpu.memref_squeeze %dma_start3A_14 : memref<1x79x128xi32, #tpu.memory_space<hbm>> -> memref<79x128xi32, #tpu.memory_space<hbm>>
      %dma_start3A_16 = arith.constant 0 : i32
      %dma_start3A_17 = arith.constant 0 : i32
      %dma_start3A_18 = tpu.memref_slice %arg2[%add3A, %dma_start3A_16, %dma_start3A_17] : memref<32x79x128xi32, #tpu.memory_space<hbm>> -> memref<1x79x128xi32, #tpu.memory_space<hbm>>
      %dma_start3A_19 = tpu.memref_squeeze %dma_start3A_18 : memref<1x79x128xi32, #tpu.memory_space<hbm>> -> memref<79x128xi32, #tpu.memory_space<hbm>>
      tpu.enqueue_dma source(%dma_start3A_19 : memref<79x128xi32, #tpu.memory_space<hbm>>) target(%arg6 : memref<79x128xi32, #tpu.memory_space<vmem>>) target_semaphore(%run_scoped3A : memref<!tpu.dma_semaphore, #tpu.memory_space<semaphore_mem>>)
      %dma_wait3A = arith.constant 0 : i32
      %dma_wait3A_20 = arith.constant 0 : i32
      %dma_wait3A_21 = tpu.memref_slice %arg2[%add3A, %dma_wait3A, %dma_wait3A_20] : memref<32x79x128xi32, #tpu.memory_space<hbm>> -> memref<1x79x128xi32, #tpu.memory_space<hbm>>
      %dma_wait3A_22 = tpu.memref_squeeze %dma_wait3A_21 : memref<1x79x128xi32, #tpu.memory_space<hbm>> -> memref<79x128xi32, #tpu.memory_space<hbm>>
      %dma_wait3A_23 = arith.constant 0 : i32
      %dma_wait3A_24 = arith.constant 0 : i32
      %dma_wait3A_25 = tpu.memref_slice %arg2[%add3A, %dma_wait3A_23, %dma_wait3A_24] : memref<32x79x128xi32, #tpu.memory_space<hbm>> -> memref<1x79x128xi32, #tpu.memory_space<hbm>>
      %dma_wait3A_26 = tpu.memref_squeeze %dma_wait3A_25 : memref<1x79x128xi32, #tpu.memory_space<hbm>> -> memref<79x128xi32, #tpu.memory_space<hbm>>
      tpu.wait_dma2 semaphore(%run_scoped3A : memref<!tpu.dma_semaphore, #tpu.memory_space<semaphore_mem>>) src(%dma_wait3A_26 : memref<79x128xi32, #tpu.memory_space<hbm>>) dst(%arg6 : memref<79x128xi32, #tpu.memory_space<vmem>>)
      tpu.yield
    }) : () -> ()
    "tpu.region"() ({
      %run_scoped3A = tpu.sem_alloc : memref<!tpu.dma_semaphore, #tpu.memory_space<semaphore_mem>>
      tpu.enqueue_dma source(%arg3 : memref<128x128xf32, #tpu.memory_space<hbm>>) target(%arg7 : memref<128x128xf32, #tpu.memory_space<vmem>>) target_semaphore(%run_scoped3A : memref<!tpu.dma_semaphore, #tpu.memory_space<semaphore_mem>>)
      tpu.wait_dma2 semaphore(%run_scoped3A : memref<!tpu.dma_semaphore, #tpu.memory_space<semaphore_mem>>) src(%arg3 : memref<128x128xf32, #tpu.memory_space<hbm>>) dst(%arg7 : memref<128x128xf32, #tpu.memory_space<vmem>>)
      tpu.yield
    }) : () -> ()
    %barrier3A = arith.constant 0 : index
    tpu.barrier barrier_id(%barrier3A)
    %scan3A = arith.constant 0 : i32
    %scan3A_3 = arith.constant 0 : i32
    %scan3A_4 = arith.constant 79 : i32
    %scan3A_5 = arith.addi %scan3A_3, %scan3A_4 : i32
    %scan3A_6 = arith.constant 1 : i32
    scf.for %scan3A_13 = %scan3A_3 to %scan3A_5 step %scan3A_6  : i32 {
      "tpu.region"() ({
        %run_scoped3A = tpu.sem_alloc : memref<!tpu.dma_semaphore, #tpu.memory_space<semaphore_mem>>
        %dma_start3A = arith.constant 0 : i32
        %dma_start3A_14 = tpu.memref_slice %arg6[%scan3A_13, %dma_start3A] : memref<79x128xi32, #tpu.memory_space<vmem>> -> memref<1x128xi32, #tpu.memory_space<vmem>>
        %dma_start3A_15 = tpu.memref_squeeze %dma_start3A_14 : memref<1x128xi32, #tpu.memory_space<vmem>> -> memref<128xi32, #tpu.memory_space<vmem>>
        %dma_start3A_16 = arith.constant 0 : i32
        %dma_start3A_17 = arith.constant 0 : i32
        %dma_start3A_18 = tpu.memref_slice %arg8[%dma_start3A_16, %dma_start3A_17] : memref<10112x128xf32, #tpu.memory_space<vmem_shared>> -> memref<10112x128xf32, #tpu.memory_space<vmem_shared>>
        tpu.enqueue_indirect_dma source(%arg7 : memref<128x128xf32, #tpu.memory_space<vmem>>) target(%dma_start3A_18 : memref<10112x128xf32, #tpu.memory_space<vmem_shared>>) offsets(%dma_start3A_15 : memref<128xi32, #tpu.memory_space<vmem>>) semaphore(%run_scoped3A : memref<!tpu.dma_semaphore, #tpu.memory_space<semaphore_mem>>) {add = true}
        %dma_wait3A = arith.constant 0 : i32
        %dma_wait3A_19 = tpu.memref_slice %arg6[%scan3A_13, %dma_wait3A] : memref<79x128xi32, #tpu.memory_space<vmem>> -> memref<1x128xi32, #tpu.memory_space<vmem>>
        %dma_wait3A_20 = tpu.memref_squeeze %dma_wait3A_19 : memref<1x128xi32, #tpu.memory_space<vmem>> -> memref<128xi32, #tpu.memory_space<vmem>>
        %dma_wait3A_21 = arith.constant 0 : i32
        %dma_wait3A_22 = arith.constant 0 : i32
        %dma_wait3A_23 = tpu.memref_slice %arg8[%dma_wait3A_21, %dma_wait3A_22] : memref<10112x128xf32, #tpu.memory_space<vmem_shared>> -> memref<10112x128xf32, #tpu.memory_space<vmem_shared>>
        tpu.wait_indirect_dma semaphore(%run_scoped3A : memref<!tpu.dma_semaphore, #tpu.memory_space<semaphore_mem>>) src(%arg7 : memref<128x128xf32, #tpu.memory_space<vmem>>) dst(%dma_wait3A_23 : memref<10112x128xf32, #tpu.memory_space<vmem_shared>>)
        tpu.yield
      }) : () -> ()
    }
    %scan3A_7 = arith.constant 79 : i32
    %barrier3A_8 = arith.constant 0 : index
    tpu.barrier barrier_id(%barrier3A_8)
    %mul3A_9 = arith.constant 632 : i32
    %mul3A_10 = arith.muli %arg1, %mul3A_9 : i32
    %mul3A_11 = arith.constant 632 : i32
    %mul3A_12 = arith.muli %arg1, %mul3A_11 : i32
    "tpu.region"() ({
      %run_scoped3A = tpu.sem_alloc : memref<!tpu.dma_semaphore, #tpu.memory_space<semaphore_mem>>
      %dma_start3A = arith.constant 0 : i32
      %dma_start3A_13 = tpu.memref_slice %arg5[%arg0, %mul3A_12, %dma_start3A] : memref<2x10112x128xf32, #tpu.memory_space<hbm>> -> memref<1x632x128xf32, #tpu.memory_space<hbm>>
      %dma_start3A_14 = tpu.memref_squeeze %dma_start3A_13 : memref<1x632x128xf32, #tpu.memory_space<hbm>> -> memref<632x128xf32, #tpu.memory_space<hbm>>
      %dma_start3A_15 = arith.constant 0 : i32
      %dma_start3A_16 = tpu.memref_slice %arg8[%mul3A_10, %dma_start3A_15] : memref<10112x128xf32, #tpu.memory_space<vmem_shared>> -> memref<632x128xf32, #tpu.memory_space<vmem_shared>>
      tpu.enqueue_dma source(%dma_start3A_16 : memref<632x128xf32, #tpu.memory_space<vmem_shared>>) target(%dma_start3A_14 : memref<632x128xf32, #tpu.memory_space<hbm>>) target_semaphore(%run_scoped3A : memref<!tpu.dma_semaphore, #tpu.memory_space<semaphore_mem>>)
      %dma_wait3A = arith.constant 0 : i32
      %dma_wait3A_17 = tpu.memref_slice %arg5[%arg0, %mul3A_12, %dma_wait3A] : memref<2x10112x128xf32, #tpu.memory_space<hbm>> -> memref<1x632x128xf32, #tpu.memory_space<hbm>>
      %dma_wait3A_18 = tpu.memref_squeeze %dma_wait3A_17 : memref<1x632x128xf32, #tpu.memory_space<hbm>> -> memref<632x128xf32, #tpu.memory_space<hbm>>
      %dma_wait3A_19 = arith.constant 0 : i32
      %dma_wait3A_20 = tpu.memref_slice %arg8[%mul3A_10, %dma_wait3A_19] : memref<10112x128xf32, #tpu.memory_space<vmem_shared>> -> memref<632x128xf32, #tpu.memory_space<vmem_shared>>
      tpu.wait_dma2 semaphore(%run_scoped3A : memref<!tpu.dma_semaphore, #tpu.memory_space<semaphore_mem>>) src(%dma_wait3A_20 : memref<632x128xf32, #tpu.memory_space<vmem_shared>>) dst(%dma_wait3A_18 : memref<632x128xf32, #tpu.memory_space<hbm>>)
      tpu.yield
    }) : () -> ()
    return
  }
}

#map = affine_map<(d0, d1) -> (0, 0)>
#map1 = affine_map<(d0, d1) -> (0, 0, 0)>
module attributes {stable_mosaic.version = 14 : i64} {
  func.func @_sc_scatter(%arg0: i32, %arg1: i32, %arg2: memref<10000x128xf32, #tpu.memory_space<hbm>>, %arg3: memref<16x102x128xi32, #tpu.memory_space<hbm>>, %arg4: memref<16x102x128xi32, #tpu.memory_space<hbm>>, %arg5: memref<16x56x128xi32, #tpu.memory_space<hbm>>, %arg6: memref<16x56x128xi32, #tpu.memory_space<hbm>>, %arg7: memref<632x128xf32, #tpu.memory_space<hbm>>, %arg8: memref<2x10112x128xf32, #tpu.memory_space<hbm>>, %arg9: memref<102x128xi32, #tpu.memory_space<vmem>>, %arg10: memref<102x128xi32, #tpu.memory_space<vmem>>, %arg11: memref<128x128xf32, #tpu.memory_space<vmem>>, %arg12: memref<10112x128xf32, #tpu.memory_space<vmem_shared>>, %arg13: memref<!tpu.dma_semaphore, #tpu.memory_space<semaphore_mem>>) attributes {dimension_semantics = [#tpu.dimension_semantics<core_parallel>, #tpu.dimension_semantics<subcore_parallel>], iteration_bounds = array<i64: 2, 16>, scalar_prefetch = 0 : i64, scratch_operands = 5 : i64, tpu.core_type = #tpu.core_type<sc_vector_subcore>, window_params = [{transform_indices = #map}, {transform_indices = #map1}, {transform_indices = #map1}, {transform_indices = #map1}, {transform_indices = #map1}, {transform_indices = #map}, {transform_indices = #map1}]} {
    %mul3A = arith.constant 632 : i32
    %mul3A_0 = arith.muli %arg1, %mul3A : i32
    "tpu.region"() ({
      %run_scoped3A = tpu.sem_alloc : memref<!tpu.dma_semaphore, #tpu.memory_space<semaphore_mem>>
      %dma_start3A = arith.constant 0 : i32
      %dma_start3A_13 = tpu.memref_slice %arg12[%mul3A_0, %dma_start3A] : memref<10112x128xf32, #tpu.memory_space<vmem_shared>> -> memref<632x128xf32, #tpu.memory_space<vmem_shared>>
      tpu.enqueue_dma source(%arg7 : memref<632x128xf32, #tpu.memory_space<hbm>>) target(%dma_start3A_13 : memref<632x128xf32, #tpu.memory_space<vmem_shared>>) target_semaphore(%run_scoped3A : memref<!tpu.dma_semaphore, #tpu.memory_space<semaphore_mem>>)
      %dma_wait3A = arith.constant 0 : i32
      %dma_wait3A_14 = tpu.memref_slice %arg12[%mul3A_0, %dma_wait3A] : memref<10112x128xf32, #tpu.memory_space<vmem_shared>> -> memref<632x128xf32, #tpu.memory_space<vmem_shared>>
      tpu.wait_dma2 semaphore(%run_scoped3A : memref<!tpu.dma_semaphore, #tpu.memory_space<semaphore_mem>>) src(%arg7 : memref<632x128xf32, #tpu.memory_space<hbm>>) dst(%dma_wait3A_14 : memref<632x128xf32, #tpu.memory_space<vmem_shared>>)
      tpu.yield
    }) : () -> ()
    %barrier3A = arith.constant 0 : index
    tpu.barrier barrier_id(%barrier3A)
    %eq3A = arith.constant 0 : i32
    %eq3A_1 = arith.cmpi eq, %arg0, %eq3A : i32
    %convert_element_type3A = arith.extui %eq3A_1 : i1 to i32
    %cond3A = arith.constant 0 : i32
    %cond3A_2 = arith.cmpi ne, %convert_element_type3A, %cond3A : i32
    scf.if %cond3A_2 {
      "tpu.region"() ({
        %run_scoped3A = tpu.sem_alloc : memref<!tpu.dma_semaphore, #tpu.memory_space<semaphore_mem>>
        %dma_start3A = arith.constant 0 : i32
        %dma_start3A_18 = arith.constant 0 : i32
        %dma_start3A_19 = tpu.memref_slice %arg3[%arg1, %dma_start3A, %dma_start3A_18] : memref<16x102x128xi32, #tpu.memory_space<hbm>> -> memref<1x102x128xi32, #tpu.memory_space<hbm>>
        %dma_start3A_20 = tpu.memref_squeeze %dma_start3A_19 : memref<1x102x128xi32, #tpu.memory_space<hbm>> -> memref<102x128xi32, #tpu.memory_space<hbm>>
        %dma_start3A_21 = arith.constant 0 : i32
        %dma_start3A_22 = arith.constant 0 : i32
        %dma_start3A_23 = tpu.memref_slice %arg3[%arg1, %dma_start3A_21, %dma_start3A_22] : memref<16x102x128xi32, #tpu.memory_space<hbm>> -> memref<1x102x128xi32, #tpu.memory_space<hbm>>
        %dma_start3A_24 = tpu.memref_squeeze %dma_start3A_23 : memref<1x102x128xi32, #tpu.memory_space<hbm>> -> memref<102x128xi32, #tpu.memory_space<hbm>>
        tpu.enqueue_dma source(%dma_start3A_24 : memref<102x128xi32, #tpu.memory_space<hbm>>) target(%arg9 : memref<102x128xi32, #tpu.memory_space<vmem>>) target_semaphore(%run_scoped3A : memref<!tpu.dma_semaphore, #tpu.memory_space<semaphore_mem>>)
        %dma_wait3A = arith.constant 0 : i32
        %dma_wait3A_25 = arith.constant 0 : i32
        %dma_wait3A_26 = tpu.memref_slice %arg3[%arg1, %dma_wait3A, %dma_wait3A_25] : memref<16x102x128xi32, #tpu.memory_space<hbm>> -> memref<1x102x128xi32, #tpu.memory_space<hbm>>
        %dma_wait3A_27 = tpu.memref_squeeze %dma_wait3A_26 : memref<1x102x128xi32, #tpu.memory_space<hbm>> -> memref<102x128xi32, #tpu.memory_space<hbm>>
        %dma_wait3A_28 = arith.constant 0 : i32
        %dma_wait3A_29 = arith.constant 0 : i32
        %dma_wait3A_30 = tpu.memref_slice %arg3[%arg1, %dma_wait3A_28, %dma_wait3A_29] : memref<16x102x128xi32, #tpu.memory_space<hbm>> -> memref<1x102x128xi32, #tpu.memory_space<hbm>>
        %dma_wait3A_31 = tpu.memref_squeeze %dma_wait3A_30 : memref<1x102x128xi32, #tpu.memory_space<hbm>> -> memref<102x128xi32, #tpu.memory_space<hbm>>
        tpu.wait_dma2 semaphore(%run_scoped3A : memref<!tpu.dma_semaphore, #tpu.memory_space<semaphore_mem>>) src(%dma_wait3A_31 : memref<102x128xi32, #tpu.memory_space<hbm>>) dst(%arg9 : memref<102x128xi32, #tpu.memory_space<vmem>>)
        tpu.yield
      }) : () -> ()
      "tpu.region"() ({
        %run_scoped3A = tpu.sem_alloc : memref<!tpu.dma_semaphore, #tpu.memory_space<semaphore_mem>>
        %dma_start3A = arith.constant 0 : i32
        %dma_start3A_18 = arith.constant 0 : i32
        %dma_start3A_19 = tpu.memref_slice %arg4[%arg1, %dma_start3A, %dma_start3A_18] : memref<16x102x128xi32, #tpu.memory_space<hbm>> -> memref<1x102x128xi32, #tpu.memory_space<hbm>>
        %dma_start3A_20 = tpu.memref_squeeze %dma_start3A_19 : memref<1x102x128xi32, #tpu.memory_space<hbm>> -> memref<102x128xi32, #tpu.memory_space<hbm>>
        %dma_start3A_21 = arith.constant 0 : i32
        %dma_start3A_22 = arith.constant 0 : i32
        %dma_start3A_23 = tpu.memref_slice %arg4[%arg1, %dma_start3A_21, %dma_start3A_22] : memref<16x102x128xi32, #tpu.memory_space<hbm>> -> memref<1x102x128xi32, #tpu.memory_space<hbm>>
        %dma_start3A_24 = tpu.memref_squeeze %dma_start3A_23 : memref<1x102x128xi32, #tpu.memory_space<hbm>> -> memref<102x128xi32, #tpu.memory_space<hbm>>
        tpu.enqueue_dma source(%dma_start3A_24 : memref<102x128xi32, #tpu.memory_space<hbm>>) target(%arg10 : memref<102x128xi32, #tpu.memory_space<vmem>>) target_semaphore(%run_scoped3A : memref<!tpu.dma_semaphore, #tpu.memory_space<semaphore_mem>>)
        %dma_wait3A = arith.constant 0 : i32
        %dma_wait3A_25 = arith.constant 0 : i32
        %dma_wait3A_26 = tpu.memref_slice %arg4[%arg1, %dma_wait3A, %dma_wait3A_25] : memref<16x102x128xi32, #tpu.memory_space<hbm>> -> memref<1x102x128xi32, #tpu.memory_space<hbm>>
        %dma_wait3A_27 = tpu.memref_squeeze %dma_wait3A_26 : memref<1x102x128xi32, #tpu.memory_space<hbm>> -> memref<102x128xi32, #tpu.memory_space<hbm>>
        %dma_wait3A_28 = arith.constant 0 : i32
        %dma_wait3A_29 = arith.constant 0 : i32
        %dma_wait3A_30 = tpu.memref_slice %arg4[%arg1, %dma_wait3A_28, %dma_wait3A_29] : memref<16x102x128xi32, #tpu.memory_space<hbm>> -> memref<1x102x128xi32, #tpu.memory_space<hbm>>
        %dma_wait3A_31 = tpu.memref_squeeze %dma_wait3A_30 : memref<1x102x128xi32, #tpu.memory_space<hbm>> -> memref<102x128xi32, #tpu.memory_space<hbm>>
        tpu.wait_dma2 semaphore(%run_scoped3A : memref<!tpu.dma_semaphore, #tpu.memory_space<semaphore_mem>>) src(%dma_wait3A_31 : memref<102x128xi32, #tpu.memory_space<hbm>>) dst(%arg10 : memref<102x128xi32, #tpu.memory_space<vmem>>)
        tpu.yield
      }) : () -> ()
      %scan3A = arith.constant 0 : i32
      %scan3A_13 = arith.constant 0 : i32
      %scan3A_14 = arith.constant 102 : i32
      %scan3A_15 = arith.addi %scan3A_13, %scan3A_14 : i32
      %scan3A_16 = arith.constant 1 : i32
      scf.for %scan3A_18 = %scan3A_13 to %scan3A_15 step %scan3A_16  : i32 {
        %dma_start3A = arith.constant 0 : i32
        %dma_start3A_19 = tpu.memref_slice %arg9[%scan3A_18, %dma_start3A] : memref<102x128xi32, #tpu.memory_space<vmem>> -> memref<1x128xi32, #tpu.memory_space<vmem>>
        %dma_start3A_20 = tpu.memref_squeeze %dma_start3A_19 : memref<1x128xi32, #tpu.memory_space<vmem>> -> memref<128xi32, #tpu.memory_space<vmem>>
        %dma_start3A_21 = arith.constant 0 : i32
        %dma_start3A_22 = arith.constant 0 : i32
        %dma_start3A_23 = tpu.memref_slice %arg2[%dma_start3A_21, %dma_start3A_22] : memref<10000x128xf32, #tpu.memory_space<hbm>> -> memref<10000x128xf32, #tpu.memory_space<hbm>>
        tpu.enqueue_indirect_dma source(%dma_start3A_23 : memref<10000x128xf32, #tpu.memory_space<hbm>>) target(%arg11 : memref<128x128xf32, #tpu.memory_space<vmem>>) offsets(%dma_start3A_20 : memref<128xi32, #tpu.memory_space<vmem>>) semaphore(%arg13 : memref<!tpu.dma_semaphore, #tpu.memory_space<semaphore_mem>>)
        %dma_wait3A = arith.constant 0 : i32
        %dma_wait3A_24 = tpu.memref_slice %arg9[%scan3A_18, %dma_wait3A] : memref<102x128xi32, #tpu.memory_space<vmem>> -> memref<1x128xi32, #tpu.memory_space<vmem>>
        %dma_wait3A_25 = tpu.memref_squeeze %dma_wait3A_24 : memref<1x128xi32, #tpu.memory_space<vmem>> -> memref<128xi32, #tpu.memory_space<vmem>>
        %dma_wait3A_26 = arith.constant 0 : i32
        %dma_wait3A_27 = arith.constant 0 : i32
        %dma_wait3A_28 = tpu.memref_slice %arg2[%dma_wait3A_26, %dma_wait3A_27] : memref<10000x128xf32, #tpu.memory_space<hbm>> -> memref<10000x128xf32, #tpu.memory_space<hbm>>
        tpu.wait_indirect_dma semaphore(%arg13 : memref<!tpu.dma_semaphore, #tpu.memory_space<semaphore_mem>>) src(%dma_wait3A_28 : memref<10000x128xf32, #tpu.memory_space<hbm>>) dst(%arg11 : memref<128x128xf32, #tpu.memory_space<vmem>>)
        "tpu.region"() ({
          %run_scoped3A = tpu.sem_alloc : memref<!tpu.dma_semaphore, #tpu.memory_space<semaphore_mem>>
          %dma_start3A_29 = arith.constant 0 : i32
          %dma_start3A_30 = tpu.memref_slice %arg10[%scan3A_18, %dma_start3A_29] : memref<102x128xi32, #tpu.memory_space<vmem>> -> memref<1x128xi32, #tpu.memory_space<vmem>>
          %dma_start3A_31 = tpu.memref_squeeze %dma_start3A_30 : memref<1x128xi32, #tpu.memory_space<vmem>> -> memref<128xi32, #tpu.memory_space<vmem>>
          %dma_start3A_32 = arith.constant 0 : i32
          %dma_start3A_33 = arith.constant 0 : i32
          %dma_start3A_34 = tpu.memref_slice %arg12[%dma_start3A_32, %dma_start3A_33] : memref<10112x128xf32, #tpu.memory_space<vmem_shared>> -> memref<10112x128xf32, #tpu.memory_space<vmem_shared>>
          tpu.enqueue_indirect_dma source(%arg11 : memref<128x128xf32, #tpu.memory_space<vmem>>) target(%dma_start3A_34 : memref<10112x128xf32, #tpu.memory_space<vmem_shared>>) offsets(%dma_start3A_31 : memref<128xi32, #tpu.memory_space<vmem>>) semaphore(%run_scoped3A : memref<!tpu.dma_semaphore, #tpu.memory_space<semaphore_mem>>) {add = true}
          %dma_wait3A_35 = arith.constant 0 : i32
          %dma_wait3A_36 = tpu.memref_slice %arg10[%scan3A_18, %dma_wait3A_35] : memref<102x128xi32, #tpu.memory_space<vmem>> -> memref<1x128xi32, #tpu.memory_space<vmem>>
          %dma_wait3A_37 = tpu.memref_squeeze %dma_wait3A_36 : memref<1x128xi32, #tpu.memory_space<vmem>> -> memref<128xi32, #tpu.memory_space<vmem>>
          %dma_wait3A_38 = arith.constant 0 : i32
          %dma_wait3A_39 = arith.constant 0 : i32
          %dma_wait3A_40 = tpu.memref_slice %arg12[%dma_wait3A_38, %dma_wait3A_39] : memref<10112x128xf32, #tpu.memory_space<vmem_shared>> -> memref<10112x128xf32, #tpu.memory_space<vmem_shared>>
          tpu.wait_indirect_dma semaphore(%run_scoped3A : memref<!tpu.dma_semaphore, #tpu.memory_space<semaphore_mem>>) src(%arg11 : memref<128x128xf32, #tpu.memory_space<vmem>>) dst(%dma_wait3A_40 : memref<10112x128xf32, #tpu.memory_space<vmem_shared>>)
          tpu.yield
        }) : () -> ()
      }
      %scan3A_17 = arith.constant 102 : i32
    } else {
    }
    %eq3A_3 = arith.constant 1 : i32
    %eq3A_4 = arith.cmpi eq, %arg0, %eq3A_3 : i32
    %convert_element_type3A_5 = arith.extui %eq3A_4 : i1 to i32
    %cond3A_6 = arith.constant 0 : i32
    %cond3A_7 = arith.cmpi ne, %convert_element_type3A_5, %cond3A_6 : i32
    scf.if %cond3A_7 {
      "tpu.region"() ({
        %run_scoped3A = tpu.sem_alloc : memref<!tpu.dma_semaphore, #tpu.memory_space<semaphore_mem>>
        %dma_start3A = arith.constant 0 : i32
        %dma_start3A_18 = arith.constant 0 : i32
        %dma_start3A_19 = tpu.memref_slice %arg9[%dma_start3A, %dma_start3A_18] : memref<102x128xi32, #tpu.memory_space<vmem>> -> memref<56x128xi32, #tpu.memory_space<vmem>>
        %dma_start3A_20 = arith.constant 0 : i32
        %dma_start3A_21 = arith.constant 0 : i32
        %dma_start3A_22 = tpu.memref_slice %arg5[%arg1, %dma_start3A_20, %dma_start3A_21] : memref<16x56x128xi32, #tpu.memory_space<hbm>> -> memref<1x56x128xi32, #tpu.memory_space<hbm>>
        %dma_start3A_23 = tpu.memref_squeeze %dma_start3A_22 : memref<1x56x128xi32, #tpu.memory_space<hbm>> -> memref<56x128xi32, #tpu.memory_space<hbm>>
        %dma_start3A_24 = arith.constant 0 : i32
        %dma_start3A_25 = arith.constant 0 : i32
        %dma_start3A_26 = tpu.memref_slice %arg9[%dma_start3A_24, %dma_start3A_25] : memref<102x128xi32, #tpu.memory_space<vmem>> -> memref<56x128xi32, #tpu.memory_space<vmem>>
        %dma_start3A_27 = arith.constant 0 : i32
        %dma_start3A_28 = arith.constant 0 : i32
        %dma_start3A_29 = tpu.memref_slice %arg5[%arg1, %dma_start3A_27, %dma_start3A_28] : memref<16x56x128xi32, #tpu.memory_space<hbm>> -> memref<1x56x128xi32, #tpu.memory_space<hbm>>
        %dma_start3A_30 = tpu.memref_squeeze %dma_start3A_29 : memref<1x56x128xi32, #tpu.memory_space<hbm>> -> memref<56x128xi32, #tpu.memory_space<hbm>>
        tpu.enqueue_dma source(%dma_start3A_30 : memref<56x128xi32, #tpu.memory_space<hbm>>) target(%dma_start3A_26 : memref<56x128xi32, #tpu.memory_space<vmem>>) target_semaphore(%run_scoped3A : memref<!tpu.dma_semaphore, #tpu.memory_space<semaphore_mem>>)
        %dma_wait3A = arith.constant 0 : i32
        %dma_wait3A_31 = arith.constant 0 : i32
        %dma_wait3A_32 = tpu.memref_slice %arg9[%dma_wait3A, %dma_wait3A_31] : memref<102x128xi32, #tpu.memory_space<vmem>> -> memref<56x128xi32, #tpu.memory_space<vmem>>
        %dma_wait3A_33 = arith.constant 0 : i32
        %dma_wait3A_34 = arith.constant 0 : i32
        %dma_wait3A_35 = tpu.memref_slice %arg5[%arg1, %dma_wait3A_33, %dma_wait3A_34] : memref<16x56x128xi32, #tpu.memory_space<hbm>> -> memref<1x56x128xi32, #tpu.memory_space<hbm>>
        %dma_wait3A_36 = tpu.memref_squeeze %dma_wait3A_35 : memref<1x56x128xi32, #tpu.memory_space<hbm>> -> memref<56x128xi32, #tpu.memory_space<hbm>>
        %dma_wait3A_37 = arith.constant 0 : i32
        %dma_wait3A_38 = arith.constant 0 : i32
        %dma_wait3A_39 = tpu.memref_slice %arg9[%dma_wait3A_37, %dma_wait3A_38] : memref<102x128xi32, #tpu.memory_space<vmem>> -> memref<56x128xi32, #tpu.memory_space<vmem>>
        %dma_wait3A_40 = arith.constant 0 : i32
        %dma_wait3A_41 = arith.constant 0 : i32
        %dma_wait3A_42 = tpu.memref_slice %arg5[%arg1, %dma_wait3A_40, %dma_wait3A_41] : memref<16x56x128xi32, #tpu.memory_space<hbm>> -> memref<1x56x128xi32, #tpu.memory_space<hbm>>
        %dma_wait3A_43 = tpu.memref_squeeze %dma_wait3A_42 : memref<1x56x128xi32, #tpu.memory_space<hbm>> -> memref<56x128xi32, #tpu.memory_space<hbm>>
        tpu.wait_dma2 semaphore(%run_scoped3A : memref<!tpu.dma_semaphore, #tpu.memory_space<semaphore_mem>>) src(%dma_wait3A_43 : memref<56x128xi32, #tpu.memory_space<hbm>>) dst(%dma_wait3A_39 : memref<56x128xi32, #tpu.memory_space<vmem>>)
        tpu.yield
      }) : () -> ()
      "tpu.region"() ({
        %run_scoped3A = tpu.sem_alloc : memref<!tpu.dma_semaphore, #tpu.memory_space<semaphore_mem>>
        %dma_start3A = arith.constant 0 : i32
        %dma_start3A_18 = arith.constant 0 : i32
        %dma_start3A_19 = tpu.memref_slice %arg10[%dma_start3A, %dma_start3A_18] : memref<102x128xi32, #tpu.memory_space<vmem>> -> memref<56x128xi32, #tpu.memory_space<vmem>>
        %dma_start3A_20 = arith.constant 0 : i32
        %dma_start3A_21 = arith.constant 0 : i32
        %dma_start3A_22 = tpu.memref_slice %arg6[%arg1, %dma_start3A_20, %dma_start3A_21] : memref<16x56x128xi32, #tpu.memory_space<hbm>> -> memref<1x56x128xi32, #tpu.memory_space<hbm>>
        %dma_start3A_23 = tpu.memref_squeeze %dma_start3A_22 : memref<1x56x128xi32, #tpu.memory_space<hbm>> -> memref<56x128xi32, #tpu.memory_space<hbm>>
        %dma_start3A_24 = arith.constant 0 : i32
        %dma_start3A_25 = arith.constant 0 : i32
        %dma_start3A_26 = tpu.memref_slice %arg10[%dma_start3A_24, %dma_start3A_25] : memref<102x128xi32, #tpu.memory_space<vmem>> -> memref<56x128xi32, #tpu.memory_space<vmem>>
        %dma_start3A_27 = arith.constant 0 : i32
        %dma_start3A_28 = arith.constant 0 : i32
        %dma_start3A_29 = tpu.memref_slice %arg6[%arg1, %dma_start3A_27, %dma_start3A_28] : memref<16x56x128xi32, #tpu.memory_space<hbm>> -> memref<1x56x128xi32, #tpu.memory_space<hbm>>
        %dma_start3A_30 = tpu.memref_squeeze %dma_start3A_29 : memref<1x56x128xi32, #tpu.memory_space<hbm>> -> memref<56x128xi32, #tpu.memory_space<hbm>>
        tpu.enqueue_dma source(%dma_start3A_30 : memref<56x128xi32, #tpu.memory_space<hbm>>) target(%dma_start3A_26 : memref<56x128xi32, #tpu.memory_space<vmem>>) target_semaphore(%run_scoped3A : memref<!tpu.dma_semaphore, #tpu.memory_space<semaphore_mem>>)
        %dma_wait3A = arith.constant 0 : i32
        %dma_wait3A_31 = arith.constant 0 : i32
        %dma_wait3A_32 = tpu.memref_slice %arg10[%dma_wait3A, %dma_wait3A_31] : memref<102x128xi32, #tpu.memory_space<vmem>> -> memref<56x128xi32, #tpu.memory_space<vmem>>
        %dma_wait3A_33 = arith.constant 0 : i32
        %dma_wait3A_34 = arith.constant 0 : i32
        %dma_wait3A_35 = tpu.memref_slice %arg6[%arg1, %dma_wait3A_33, %dma_wait3A_34] : memref<16x56x128xi32, #tpu.memory_space<hbm>> -> memref<1x56x128xi32, #tpu.memory_space<hbm>>
        %dma_wait3A_36 = tpu.memref_squeeze %dma_wait3A_35 : memref<1x56x128xi32, #tpu.memory_space<hbm>> -> memref<56x128xi32, #tpu.memory_space<hbm>>
        %dma_wait3A_37 = arith.constant 0 : i32
        %dma_wait3A_38 = arith.constant 0 : i32
        %dma_wait3A_39 = tpu.memref_slice %arg10[%dma_wait3A_37, %dma_wait3A_38] : memref<102x128xi32, #tpu.memory_space<vmem>> -> memref<56x128xi32, #tpu.memory_space<vmem>>
        %dma_wait3A_40 = arith.constant 0 : i32
        %dma_wait3A_41 = arith.constant 0 : i32
        %dma_wait3A_42 = tpu.memref_slice %arg6[%arg1, %dma_wait3A_40, %dma_wait3A_41] : memref<16x56x128xi32, #tpu.memory_space<hbm>> -> memref<1x56x128xi32, #tpu.memory_space<hbm>>
        %dma_wait3A_43 = tpu.memref_squeeze %dma_wait3A_42 : memref<1x56x128xi32, #tpu.memory_space<hbm>> -> memref<56x128xi32, #tpu.memory_space<hbm>>
        tpu.wait_dma2 semaphore(%run_scoped3A : memref<!tpu.dma_semaphore, #tpu.memory_space<semaphore_mem>>) src(%dma_wait3A_43 : memref<56x128xi32, #tpu.memory_space<hbm>>) dst(%dma_wait3A_39 : memref<56x128xi32, #tpu.memory_space<vmem>>)
        tpu.yield
      }) : () -> ()
      %scan3A = arith.constant 0 : i32
      %scan3A_13 = arith.constant 0 : i32
      %scan3A_14 = arith.constant 56 : i32
      %scan3A_15 = arith.addi %scan3A_13, %scan3A_14 : i32
      %scan3A_16 = arith.constant 1 : i32
      scf.for %scan3A_18 = %scan3A_13 to %scan3A_15 step %scan3A_16  : i32 {
        %dma_start3A = arith.constant 0 : i32
        %dma_start3A_19 = tpu.memref_slice %arg9[%scan3A_18, %dma_start3A] : memref<102x128xi32, #tpu.memory_space<vmem>> -> memref<1x128xi32, #tpu.memory_space<vmem>>
        %dma_start3A_20 = tpu.memref_squeeze %dma_start3A_19 : memref<1x128xi32, #tpu.memory_space<vmem>> -> memref<128xi32, #tpu.memory_space<vmem>>
        %dma_start3A_21 = arith.constant 0 : i32
        %dma_start3A_22 = arith.constant 0 : i32
        %dma_start3A_23 = tpu.memref_slice %arg2[%dma_start3A_21, %dma_start3A_22] : memref<10000x128xf32, #tpu.memory_space<hbm>> -> memref<10000x128xf32, #tpu.memory_space<hbm>>
        tpu.enqueue_indirect_dma source(%dma_start3A_23 : memref<10000x128xf32, #tpu.memory_space<hbm>>) target(%arg11 : memref<128x128xf32, #tpu.memory_space<vmem>>) offsets(%dma_start3A_20 : memref<128xi32, #tpu.memory_space<vmem>>) semaphore(%arg13 : memref<!tpu.dma_semaphore, #tpu.memory_space<semaphore_mem>>)
        %dma_wait3A = arith.constant 0 : i32
        %dma_wait3A_24 = tpu.memref_slice %arg9[%scan3A_18, %dma_wait3A] : memref<102x128xi32, #tpu.memory_space<vmem>> -> memref<1x128xi32, #tpu.memory_space<vmem>>
        %dma_wait3A_25 = tpu.memref_squeeze %dma_wait3A_24 : memref<1x128xi32, #tpu.memory_space<vmem>> -> memref<128xi32, #tpu.memory_space<vmem>>
        %dma_wait3A_26 = arith.constant 0 : i32
        %dma_wait3A_27 = arith.constant 0 : i32
        %dma_wait3A_28 = tpu.memref_slice %arg2[%dma_wait3A_26, %dma_wait3A_27] : memref<10000x128xf32, #tpu.memory_space<hbm>> -> memref<10000x128xf32, #tpu.memory_space<hbm>>
        tpu.wait_indirect_dma semaphore(%arg13 : memref<!tpu.dma_semaphore, #tpu.memory_space<semaphore_mem>>) src(%dma_wait3A_28 : memref<10000x128xf32, #tpu.memory_space<hbm>>) dst(%arg11 : memref<128x128xf32, #tpu.memory_space<vmem>>)
        "tpu.region"() ({
          %run_scoped3A = tpu.sem_alloc : memref<!tpu.dma_semaphore, #tpu.memory_space<semaphore_mem>>
          %dma_start3A_29 = arith.constant 0 : i32
          %dma_start3A_30 = tpu.memref_slice %arg10[%scan3A_18, %dma_start3A_29] : memref<102x128xi32, #tpu.memory_space<vmem>> -> memref<1x128xi32, #tpu.memory_space<vmem>>
          %dma_start3A_31 = tpu.memref_squeeze %dma_start3A_30 : memref<1x128xi32, #tpu.memory_space<vmem>> -> memref<128xi32, #tpu.memory_space<vmem>>
          %dma_start3A_32 = arith.constant 0 : i32
          %dma_start3A_33 = arith.constant 0 : i32
          %dma_start3A_34 = tpu.memref_slice %arg12[%dma_start3A_32, %dma_start3A_33] : memref<10112x128xf32, #tpu.memory_space<vmem_shared>> -> memref<10112x128xf32, #tpu.memory_space<vmem_shared>>
          tpu.enqueue_indirect_dma source(%arg11 : memref<128x128xf32, #tpu.memory_space<vmem>>) target(%dma_start3A_34 : memref<10112x128xf32, #tpu.memory_space<vmem_shared>>) offsets(%dma_start3A_31 : memref<128xi32, #tpu.memory_space<vmem>>) semaphore(%run_scoped3A : memref<!tpu.dma_semaphore, #tpu.memory_space<semaphore_mem>>) {add = true}
          %dma_wait3A_35 = arith.constant 0 : i32
          %dma_wait3A_36 = tpu.memref_slice %arg10[%scan3A_18, %dma_wait3A_35] : memref<102x128xi32, #tpu.memory_space<vmem>> -> memref<1x128xi32, #tpu.memory_space<vmem>>
          %dma_wait3A_37 = tpu.memref_squeeze %dma_wait3A_36 : memref<1x128xi32, #tpu.memory_space<vmem>> -> memref<128xi32, #tpu.memory_space<vmem>>
          %dma_wait3A_38 = arith.constant 0 : i32
          %dma_wait3A_39 = arith.constant 0 : i32
          %dma_wait3A_40 = tpu.memref_slice %arg12[%dma_wait3A_38, %dma_wait3A_39] : memref<10112x128xf32, #tpu.memory_space<vmem_shared>> -> memref<10112x128xf32, #tpu.memory_space<vmem_shared>>
          tpu.wait_indirect_dma semaphore(%run_scoped3A : memref<!tpu.dma_semaphore, #tpu.memory_space<semaphore_mem>>) src(%arg11 : memref<128x128xf32, #tpu.memory_space<vmem>>) dst(%dma_wait3A_40 : memref<10112x128xf32, #tpu.memory_space<vmem_shared>>)
          tpu.yield
        }) : () -> ()
      }
      %scan3A_17 = arith.constant 56 : i32
    } else {
    }
    %barrier3A_8 = arith.constant 0 : index
    tpu.barrier barrier_id(%barrier3A_8)
    %mul3A_9 = arith.constant 632 : i32
    %mul3A_10 = arith.muli %arg1, %mul3A_9 : i32
    %mul3A_11 = arith.constant 632 : i32
    %mul3A_12 = arith.muli %arg1, %mul3A_11 : i32
    "tpu.region"() ({
      %run_scoped3A = tpu.sem_alloc : memref<!tpu.dma_semaphore, #tpu.memory_space<semaphore_mem>>
      %dma_start3A = arith.constant 0 : i32
      %dma_start3A_13 = tpu.memref_slice %arg8[%arg0, %mul3A_12, %dma_start3A] : memref<2x10112x128xf32, #tpu.memory_space<hbm>> -> memref<1x632x128xf32, #tpu.memory_space<hbm>>
      %dma_start3A_14 = tpu.memref_squeeze %dma_start3A_13 : memref<1x632x128xf32, #tpu.memory_space<hbm>> -> memref<632x128xf32, #tpu.memory_space<hbm>>
      %dma_start3A_15 = arith.constant 0 : i32
      %dma_start3A_16 = tpu.memref_slice %arg12[%mul3A_10, %dma_start3A_15] : memref<10112x128xf32, #tpu.memory_space<vmem_shared>> -> memref<632x128xf32, #tpu.memory_space<vmem_shared>>
      tpu.enqueue_dma source(%dma_start3A_16 : memref<632x128xf32, #tpu.memory_space<vmem_shared>>) target(%dma_start3A_14 : memref<632x128xf32, #tpu.memory_space<hbm>>) target_semaphore(%run_scoped3A : memref<!tpu.dma_semaphore, #tpu.memory_space<semaphore_mem>>)
      %dma_wait3A = arith.constant 0 : i32
      %dma_wait3A_17 = tpu.memref_slice %arg8[%arg0, %mul3A_12, %dma_wait3A] : memref<2x10112x128xf32, #tpu.memory_space<hbm>> -> memref<1x632x128xf32, #tpu.memory_space<hbm>>
      %dma_wait3A_18 = tpu.memref_squeeze %dma_wait3A_17 : memref<1x632x128xf32, #tpu.memory_space<hbm>> -> memref<632x128xf32, #tpu.memory_space<hbm>>
      %dma_wait3A_19 = arith.constant 0 : i32
      %dma_wait3A_20 = tpu.memref_slice %arg12[%mul3A_10, %dma_wait3A_19] : memref<10112x128xf32, #tpu.memory_space<vmem_shared>> -> memref<632x128xf32, #tpu.memory_space<vmem_shared>>
      tpu.wait_dma2 semaphore(%run_scoped3A : memref<!tpu.dma_semaphore, #tpu.memory_space<semaphore_mem>>) src(%dma_wait3A_20 : memref<632x128xf32, #tpu.memory_space<vmem_shared>>) dst(%dma_wait3A_18 : memref<632x128xf32, #tpu.memory_space<hbm>>)
      tpu.yield
    }) : () -> ()
    return
  }
}

#map = affine_map<(d0, d1) -> (0, 0)>
#map1 = affine_map<(d0, d1) -> (0, 0, 0)>
module attributes {stable_mosaic.version = 14 : i64} {
  func.func @_sc_scatter(%arg0: i32, %arg1: i32, %arg2: memref<10000x128xf32, #tpu.memory_space<hbm>>, %arg3: memref<16x102x128xi32, #tpu.memory_space<hbm>>, %arg4: memref<16x102x128xi32, #tpu.memory_space<hbm>>, %arg5: memref<16x56x128xi32, #tpu.memory_space<hbm>>, %arg6: memref<16x56x128xi32, #tpu.memory_space<hbm>>, %arg7: memref<632x128xf32, #tpu.memory_space<hbm>>, %arg8: memref<2x10112x128xf32, #tpu.memory_space<hbm>>, %arg9: memref<102x128xi32, #tpu.memory_space<vmem>>, %arg10: memref<102x128xi32, #tpu.memory_space<vmem>>, %arg11: memref<128x128xf32, #tpu.memory_space<vmem>>, %arg12: memref<10112x128xf32, #tpu.memory_space<vmem_shared>>, %arg13: memref<!tpu.dma_semaphore, #tpu.memory_space<semaphore_mem>>) attributes {dimension_semantics = [#tpu.dimension_semantics<core_parallel>, #tpu.dimension_semantics<subcore_parallel>], iteration_bounds = array<i64: 2, 16>, scalar_prefetch = 0 : i64, scratch_operands = 5 : i64, tpu.core_type = #tpu.core_type<sc_vector_subcore>, window_params = [{transform_indices = #map}, {transform_indices = #map1}, {transform_indices = #map1}, {transform_indices = #map1}, {transform_indices = #map1}, {transform_indices = #map}, {transform_indices = #map1}]} {
    %mul3A = arith.constant 632 : i32
    %mul3A_0 = arith.muli %arg1, %mul3A : i32
    "tpu.region"() ({
      %run_scoped3A = tpu.sem_alloc : memref<!tpu.dma_semaphore, #tpu.memory_space<semaphore_mem>>
      %dma_start3A = arith.constant 0 : i32
      %dma_start3A_13 = tpu.memref_slice %arg12[%mul3A_0, %dma_start3A] : memref<10112x128xf32, #tpu.memory_space<vmem_shared>> -> memref<632x128xf32, #tpu.memory_space<vmem_shared>>
      tpu.enqueue_dma source(%arg7 : memref<632x128xf32, #tpu.memory_space<hbm>>) target(%dma_start3A_13 : memref<632x128xf32, #tpu.memory_space<vmem_shared>>) target_semaphore(%run_scoped3A : memref<!tpu.dma_semaphore, #tpu.memory_space<semaphore_mem>>)
      %dma_wait3A = arith.constant 0 : i32
      %dma_wait3A_14 = tpu.memref_slice %arg12[%mul3A_0, %dma_wait3A] : memref<10112x128xf32, #tpu.memory_space<vmem_shared>> -> memref<632x128xf32, #tpu.memory_space<vmem_shared>>
      tpu.wait_dma2 semaphore(%run_scoped3A : memref<!tpu.dma_semaphore, #tpu.memory_space<semaphore_mem>>) src(%arg7 : memref<632x128xf32, #tpu.memory_space<hbm>>) dst(%dma_wait3A_14 : memref<632x128xf32, #tpu.memory_space<vmem_shared>>)
      tpu.yield
    }) : () -> ()
    %barrier3A = arith.constant 0 : index
    tpu.barrier barrier_id(%barrier3A)
    %eq3A = arith.constant 0 : i32
    %eq3A_1 = arith.cmpi eq, %arg0, %eq3A : i32
    %convert_element_type3A = arith.extui %eq3A_1 : i1 to i32
    %cond3A = arith.constant 0 : i32
    %cond3A_2 = arith.cmpi ne, %convert_element_type3A, %cond3A : i32
    scf.if %cond3A_2 {
      "tpu.region"() ({
        %run_scoped3A = tpu.sem_alloc : memref<!tpu.dma_semaphore, #tpu.memory_space<semaphore_mem>>
        %dma_start3A = arith.constant 0 : i32
        %dma_start3A_18 = arith.constant 0 : i32
        %dma_start3A_19 = tpu.memref_slice %arg3[%arg1, %dma_start3A, %dma_start3A_18] : memref<16x102x128xi32, #tpu.memory_space<hbm>> -> memref<1x102x128xi32, #tpu.memory_space<hbm>>
        %dma_start3A_20 = tpu.memref_squeeze %dma_start3A_19 : memref<1x102x128xi32, #tpu.memory_space<hbm>> -> memref<102x128xi32, #tpu.memory_space<hbm>>
        %dma_start3A_21 = arith.constant 0 : i32
        %dma_start3A_22 = arith.constant 0 : i32
        %dma_start3A_23 = tpu.memref_slice %arg3[%arg1, %dma_start3A_21, %dma_start3A_22] : memref<16x102x128xi32, #tpu.memory_space<hbm>> -> memref<1x102x128xi32, #tpu.memory_space<hbm>>
        %dma_start3A_24 = tpu.memref_squeeze %dma_start3A_23 : memref<1x102x128xi32, #tpu.memory_space<hbm>> -> memref<102x128xi32, #tpu.memory_space<hbm>>
        tpu.enqueue_dma source(%dma_start3A_24 : memref<102x128xi32, #tpu.memory_space<hbm>>) target(%arg9 : memref<102x128xi32, #tpu.memory_space<vmem>>) target_semaphore(%run_scoped3A : memref<!tpu.dma_semaphore, #tpu.memory_space<semaphore_mem>>)
        %dma_wait3A = arith.constant 0 : i32
        %dma_wait3A_25 = arith.constant 0 : i32
        %dma_wait3A_26 = tpu.memref_slice %arg3[%arg1, %dma_wait3A, %dma_wait3A_25] : memref<16x102x128xi32, #tpu.memory_space<hbm>> -> memref<1x102x128xi32, #tpu.memory_space<hbm>>
        %dma_wait3A_27 = tpu.memref_squeeze %dma_wait3A_26 : memref<1x102x128xi32, #tpu.memory_space<hbm>> -> memref<102x128xi32, #tpu.memory_space<hbm>>
        %dma_wait3A_28 = arith.constant 0 : i32
        %dma_wait3A_29 = arith.constant 0 : i32
        %dma_wait3A_30 = tpu.memref_slice %arg3[%arg1, %dma_wait3A_28, %dma_wait3A_29] : memref<16x102x128xi32, #tpu.memory_space<hbm>> -> memref<1x102x128xi32, #tpu.memory_space<hbm>>
        %dma_wait3A_31 = tpu.memref_squeeze %dma_wait3A_30 : memref<1x102x128xi32, #tpu.memory_space<hbm>> -> memref<102x128xi32, #tpu.memory_space<hbm>>
        tpu.wait_dma2 semaphore(%run_scoped3A : memref<!tpu.dma_semaphore, #tpu.memory_space<semaphore_mem>>) src(%dma_wait3A_31 : memref<102x128xi32, #tpu.memory_space<hbm>>) dst(%arg9 : memref<102x128xi32, #tpu.memory_space<vmem>>)
        tpu.yield
      }) : () -> ()
      "tpu.region"() ({
        %run_scoped3A = tpu.sem_alloc : memref<!tpu.dma_semaphore, #tpu.memory_space<semaphore_mem>>
        %dma_start3A = arith.constant 0 : i32
        %dma_start3A_18 = arith.constant 0 : i32
        %dma_start3A_19 = tpu.memref_slice %arg4[%arg1, %dma_start3A, %dma_start3A_18] : memref<16x102x128xi32, #tpu.memory_space<hbm>> -> memref<1x102x128xi32, #tpu.memory_space<hbm>>
        %dma_start3A_20 = tpu.memref_squeeze %dma_start3A_19 : memref<1x102x128xi32, #tpu.memory_space<hbm>> -> memref<102x128xi32, #tpu.memory_space<hbm>>
        %dma_start3A_21 = arith.constant 0 : i32
        %dma_start3A_22 = arith.constant 0 : i32
        %dma_start3A_23 = tpu.memref_slice %arg4[%arg1, %dma_start3A_21, %dma_start3A_22] : memref<16x102x128xi32, #tpu.memory_space<hbm>> -> memref<1x102x128xi32, #tpu.memory_space<hbm>>
        %dma_start3A_24 = tpu.memref_squeeze %dma_start3A_23 : memref<1x102x128xi32, #tpu.memory_space<hbm>> -> memref<102x128xi32, #tpu.memory_space<hbm>>
        tpu.enqueue_dma source(%dma_start3A_24 : memref<102x128xi32, #tpu.memory_space<hbm>>) target(%arg10 : memref<102x128xi32, #tpu.memory_space<vmem>>) target_semaphore(%run_scoped3A : memref<!tpu.dma_semaphore, #tpu.memory_space<semaphore_mem>>)
        %dma_wait3A = arith.constant 0 : i32
        %dma_wait3A_25 = arith.constant 0 : i32
        %dma_wait3A_26 = tpu.memref_slice %arg4[%arg1, %dma_wait3A, %dma_wait3A_25] : memref<16x102x128xi32, #tpu.memory_space<hbm>> -> memref<1x102x128xi32, #tpu.memory_space<hbm>>
        %dma_wait3A_27 = tpu.memref_squeeze %dma_wait3A_26 : memref<1x102x128xi32, #tpu.memory_space<hbm>> -> memref<102x128xi32, #tpu.memory_space<hbm>>
        %dma_wait3A_28 = arith.constant 0 : i32
        %dma_wait3A_29 = arith.constant 0 : i32
        %dma_wait3A_30 = tpu.memref_slice %arg4[%arg1, %dma_wait3A_28, %dma_wait3A_29] : memref<16x102x128xi32, #tpu.memory_space<hbm>> -> memref<1x102x128xi32, #tpu.memory_space<hbm>>
        %dma_wait3A_31 = tpu.memref_squeeze %dma_wait3A_30 : memref<1x102x128xi32, #tpu.memory_space<hbm>> -> memref<102x128xi32, #tpu.memory_space<hbm>>
        tpu.wait_dma2 semaphore(%run_scoped3A : memref<!tpu.dma_semaphore, #tpu.memory_space<semaphore_mem>>) src(%dma_wait3A_31 : memref<102x128xi32, #tpu.memory_space<hbm>>) dst(%arg10 : memref<102x128xi32, #tpu.memory_space<vmem>>)
        tpu.yield
      }) : () -> ()
      %scan3A = arith.constant 0 : i32
      %scan3A_13 = arith.constant 0 : i32
      %scan3A_14 = arith.constant 102 : i32
      %scan3A_15 = arith.addi %scan3A_13, %scan3A_14 : i32
      %scan3A_16 = arith.constant 1 : i32
      scf.for %scan3A_18 = %scan3A_13 to %scan3A_15 step %scan3A_16  : i32 {
        %dma_start3A = arith.constant 0 : i32
        %dma_start3A_19 = tpu.memref_slice %arg9[%scan3A_18, %dma_start3A] : memref<102x128xi32, #tpu.memory_space<vmem>> -> memref<1x128xi32, #tpu.memory_space<vmem>>
        %dma_start3A_20 = tpu.memref_squeeze %dma_start3A_19 : memref<1x128xi32, #tpu.memory_space<vmem>> -> memref<128xi32, #tpu.memory_space<vmem>>
        %dma_start3A_21 = arith.constant 0 : i32
        %dma_start3A_22 = arith.constant 0 : i32
        %dma_start3A_23 = tpu.memref_slice %arg2[%dma_start3A_21, %dma_start3A_22] : memref<10000x128xf32, #tpu.memory_space<hbm>> -> memref<10000x128xf32, #tpu.memory_space<hbm>>
        tpu.enqueue_indirect_dma source(%dma_start3A_23 : memref<10000x128xf32, #tpu.memory_space<hbm>>) target(%arg11 : memref<128x128xf32, #tpu.memory_space<vmem>>) offsets(%dma_start3A_20 : memref<128xi32, #tpu.memory_space<vmem>>) semaphore(%arg13 : memref<!tpu.dma_semaphore, #tpu.memory_space<semaphore_mem>>)
        %dma_wait3A = arith.constant 0 : i32
        %dma_wait3A_24 = tpu.memref_slice %arg9[%scan3A_18, %dma_wait3A] : memref<102x128xi32, #tpu.memory_space<vmem>> -> memref<1x128xi32, #tpu.memory_space<vmem>>
        %dma_wait3A_25 = tpu.memref_squeeze %dma_wait3A_24 : memref<1x128xi32, #tpu.memory_space<vmem>> -> memref<128xi32, #tpu.memory_space<vmem>>
        %dma_wait3A_26 = arith.constant 0 : i32
        %dma_wait3A_27 = arith.constant 0 : i32
        %dma_wait3A_28 = tpu.memref_slice %arg2[%dma_wait3A_26, %dma_wait3A_27] : memref<10000x128xf32, #tpu.memory_space<hbm>> -> memref<10000x128xf32, #tpu.memory_space<hbm>>
        tpu.wait_indirect_dma semaphore(%arg13 : memref<!tpu.dma_semaphore, #tpu.memory_space<semaphore_mem>>) src(%dma_wait3A_28 : memref<10000x128xf32, #tpu.memory_space<hbm>>) dst(%arg11 : memref<128x128xf32, #tpu.memory_space<vmem>>)
        "tpu.region"() ({
          %run_scoped3A = tpu.sem_alloc : memref<!tpu.dma_semaphore, #tpu.memory_space<semaphore_mem>>
          %dma_start3A_29 = arith.constant 0 : i32
          %dma_start3A_30 = tpu.memref_slice %arg10[%scan3A_18, %dma_start3A_29] : memref<102x128xi32, #tpu.memory_space<vmem>> -> memref<1x128xi32, #tpu.memory_space<vmem>>
          %dma_start3A_31 = tpu.memref_squeeze %dma_start3A_30 : memref<1x128xi32, #tpu.memory_space<vmem>> -> memref<128xi32, #tpu.memory_space<vmem>>
          %dma_start3A_32 = arith.constant 0 : i32
          %dma_start3A_33 = arith.constant 0 : i32
          %dma_start3A_34 = tpu.memref_slice %arg12[%dma_start3A_32, %dma_start3A_33] : memref<10112x128xf32, #tpu.memory_space<vmem_shared>> -> memref<10112x128xf32, #tpu.memory_space<vmem_shared>>
          tpu.enqueue_indirect_dma source(%arg11 : memref<128x128xf32, #tpu.memory_space<vmem>>) target(%dma_start3A_34 : memref<10112x128xf32, #tpu.memory_space<vmem_shared>>) offsets(%dma_start3A_31 : memref<128xi32, #tpu.memory_space<vmem>>) semaphore(%run_scoped3A : memref<!tpu.dma_semaphore, #tpu.memory_space<semaphore_mem>>) {add = true}
          %dma_wait3A_35 = arith.constant 0 : i32
          %dma_wait3A_36 = tpu.memref_slice %arg10[%scan3A_18, %dma_wait3A_35] : memref<102x128xi32, #tpu.memory_space<vmem>> -> memref<1x128xi32, #tpu.memory_space<vmem>>
          %dma_wait3A_37 = tpu.memref_squeeze %dma_wait3A_36 : memref<1x128xi32, #tpu.memory_space<vmem>> -> memref<128xi32, #tpu.memory_space<vmem>>
          %dma_wait3A_38 = arith.constant 0 : i32
          %dma_wait3A_39 = arith.constant 0 : i32
          %dma_wait3A_40 = tpu.memref_slice %arg12[%dma_wait3A_38, %dma_wait3A_39] : memref<10112x128xf32, #tpu.memory_space<vmem_shared>> -> memref<10112x128xf32, #tpu.memory_space<vmem_shared>>
          tpu.wait_indirect_dma semaphore(%run_scoped3A : memref<!tpu.dma_semaphore, #tpu.memory_space<semaphore_mem>>) src(%arg11 : memref<128x128xf32, #tpu.memory_space<vmem>>) dst(%dma_wait3A_40 : memref<10112x128xf32, #tpu.memory_space<vmem_shared>>)
          tpu.yield
        }) : () -> ()
      }
      %scan3A_17 = arith.constant 102 : i32
    } else {
    }
    %eq3A_3 = arith.constant 1 : i32
    %eq3A_4 = arith.cmpi eq, %arg0, %eq3A_3 : i32
    %convert_element_type3A_5 = arith.extui %eq3A_4 : i1 to i32
    %cond3A_6 = arith.constant 0 : i32
    %cond3A_7 = arith.cmpi ne, %convert_element_type3A_5, %cond3A_6 : i32
    scf.if %cond3A_7 {
      "tpu.region"() ({
        %run_scoped3A = tpu.sem_alloc : memref<!tpu.dma_semaphore, #tpu.memory_space<semaphore_mem>>
        %dma_start3A = arith.constant 0 : i32
        %dma_start3A_18 = arith.constant 0 : i32
        %dma_start3A_19 = tpu.memref_slice %arg9[%dma_start3A, %dma_start3A_18] : memref<102x128xi32, #tpu.memory_space<vmem>> -> memref<56x128xi32, #tpu.memory_space<vmem>>
        %dma_start3A_20 = arith.constant 0 : i32
        %dma_start3A_21 = arith.constant 0 : i32
        %dma_start3A_22 = tpu.memref_slice %arg5[%arg1, %dma_start3A_20, %dma_start3A_21] : memref<16x56x128xi32, #tpu.memory_space<hbm>> -> memref<1x56x128xi32, #tpu.memory_space<hbm>>
        %dma_start3A_23 = tpu.memref_squeeze %dma_start3A_22 : memref<1x56x128xi32, #tpu.memory_space<hbm>> -> memref<56x128xi32, #tpu.memory_space<hbm>>
        %dma_start3A_24 = arith.constant 0 : i32
        %dma_start3A_25 = arith.constant 0 : i32
        %dma_start3A_26 = tpu.memref_slice %arg9[%dma_start3A_24, %dma_start3A_25] : memref<102x128xi32, #tpu.memory_space<vmem>> -> memref<56x128xi32, #tpu.memory_space<vmem>>
        %dma_start3A_27 = arith.constant 0 : i32
        %dma_start3A_28 = arith.constant 0 : i32
        %dma_start3A_29 = tpu.memref_slice %arg5[%arg1, %dma_start3A_27, %dma_start3A_28] : memref<16x56x128xi32, #tpu.memory_space<hbm>> -> memref<1x56x128xi32, #tpu.memory_space<hbm>>
        %dma_start3A_30 = tpu.memref_squeeze %dma_start3A_29 : memref<1x56x128xi32, #tpu.memory_space<hbm>> -> memref<56x128xi32, #tpu.memory_space<hbm>>
        tpu.enqueue_dma source(%dma_start3A_30 : memref<56x128xi32, #tpu.memory_space<hbm>>) target(%dma_start3A_26 : memref<56x128xi32, #tpu.memory_space<vmem>>) target_semaphore(%run_scoped3A : memref<!tpu.dma_semaphore, #tpu.memory_space<semaphore_mem>>)
        %dma_wait3A = arith.constant 0 : i32
        %dma_wait3A_31 = arith.constant 0 : i32
        %dma_wait3A_32 = tpu.memref_slice %arg9[%dma_wait3A, %dma_wait3A_31] : memref<102x128xi32, #tpu.memory_space<vmem>> -> memref<56x128xi32, #tpu.memory_space<vmem>>
        %dma_wait3A_33 = arith.constant 0 : i32
        %dma_wait3A_34 = arith.constant 0 : i32
        %dma_wait3A_35 = tpu.memref_slice %arg5[%arg1, %dma_wait3A_33, %dma_wait3A_34] : memref<16x56x128xi32, #tpu.memory_space<hbm>> -> memref<1x56x128xi32, #tpu.memory_space<hbm>>
        %dma_wait3A_36 = tpu.memref_squeeze %dma_wait3A_35 : memref<1x56x128xi32, #tpu.memory_space<hbm>> -> memref<56x128xi32, #tpu.memory_space<hbm>>
        %dma_wait3A_37 = arith.constant 0 : i32
        %dma_wait3A_38 = arith.constant 0 : i32
        %dma_wait3A_39 = tpu.memref_slice %arg9[%dma_wait3A_37, %dma_wait3A_38] : memref<102x128xi32, #tpu.memory_space<vmem>> -> memref<56x128xi32, #tpu.memory_space<vmem>>
        %dma_wait3A_40 = arith.constant 0 : i32
        %dma_wait3A_41 = arith.constant 0 : i32
        %dma_wait3A_42 = tpu.memref_slice %arg5[%arg1, %dma_wait3A_40, %dma_wait3A_41] : memref<16x56x128xi32, #tpu.memory_space<hbm>> -> memref<1x56x128xi32, #tpu.memory_space<hbm>>
        %dma_wait3A_43 = tpu.memref_squeeze %dma_wait3A_42 : memref<1x56x128xi32, #tpu.memory_space<hbm>> -> memref<56x128xi32, #tpu.memory_space<hbm>>
        tpu.wait_dma2 semaphore(%run_scoped3A : memref<!tpu.dma_semaphore, #tpu.memory_space<semaphore_mem>>) src(%dma_wait3A_43 : memref<56x128xi32, #tpu.memory_space<hbm>>) dst(%dma_wait3A_39 : memref<56x128xi32, #tpu.memory_space<vmem>>)
        tpu.yield
      }) : () -> ()
      "tpu.region"() ({
        %run_scoped3A = tpu.sem_alloc : memref<!tpu.dma_semaphore, #tpu.memory_space<semaphore_mem>>
        %dma_start3A = arith.constant 0 : i32
        %dma_start3A_18 = arith.constant 0 : i32
        %dma_start3A_19 = tpu.memref_slice %arg10[%dma_start3A, %dma_start3A_18] : memref<102x128xi32, #tpu.memory_space<vmem>> -> memref<56x128xi32, #tpu.memory_space<vmem>>
        %dma_start3A_20 = arith.constant 0 : i32
        %dma_start3A_21 = arith.constant 0 : i32
        %dma_start3A_22 = tpu.memref_slice %arg6[%arg1, %dma_start3A_20, %dma_start3A_21] : memref<16x56x128xi32, #tpu.memory_space<hbm>> -> memref<1x56x128xi32, #tpu.memory_space<hbm>>
        %dma_start3A_23 = tpu.memref_squeeze %dma_start3A_22 : memref<1x56x128xi32, #tpu.memory_space<hbm>> -> memref<56x128xi32, #tpu.memory_space<hbm>>
        %dma_start3A_24 = arith.constant 0 : i32
        %dma_start3A_25 = arith.constant 0 : i32
        %dma_start3A_26 = tpu.memref_slice %arg10[%dma_start3A_24, %dma_start3A_25] : memref<102x128xi32, #tpu.memory_space<vmem>> -> memref<56x128xi32, #tpu.memory_space<vmem>>
        %dma_start3A_27 = arith.constant 0 : i32
        %dma_start3A_28 = arith.constant 0 : i32
        %dma_start3A_29 = tpu.memref_slice %arg6[%arg1, %dma_start3A_27, %dma_start3A_28] : memref<16x56x128xi32, #tpu.memory_space<hbm>> -> memref<1x56x128xi32, #tpu.memory_space<hbm>>
        %dma_start3A_30 = tpu.memref_squeeze %dma_start3A_29 : memref<1x56x128xi32, #tpu.memory_space<hbm>> -> memref<56x128xi32, #tpu.memory_space<hbm>>
        tpu.enqueue_dma source(%dma_start3A_30 : memref<56x128xi32, #tpu.memory_space<hbm>>) target(%dma_start3A_26 : memref<56x128xi32, #tpu.memory_space<vmem>>) target_semaphore(%run_scoped3A : memref<!tpu.dma_semaphore, #tpu.memory_space<semaphore_mem>>)
        %dma_wait3A = arith.constant 0 : i32
        %dma_wait3A_31 = arith.constant 0 : i32
        %dma_wait3A_32 = tpu.memref_slice %arg10[%dma_wait3A, %dma_wait3A_31] : memref<102x128xi32, #tpu.memory_space<vmem>> -> memref<56x128xi32, #tpu.memory_space<vmem>>
        %dma_wait3A_33 = arith.constant 0 : i32
        %dma_wait3A_34 = arith.constant 0 : i32
        %dma_wait3A_35 = tpu.memref_slice %arg6[%arg1, %dma_wait3A_33, %dma_wait3A_34] : memref<16x56x128xi32, #tpu.memory_space<hbm>> -> memref<1x56x128xi32, #tpu.memory_space<hbm>>
        %dma_wait3A_36 = tpu.memref_squeeze %dma_wait3A_35 : memref<1x56x128xi32, #tpu.memory_space<hbm>> -> memref<56x128xi32, #tpu.memory_space<hbm>>
        %dma_wait3A_37 = arith.constant 0 : i32
        %dma_wait3A_38 = arith.constant 0 : i32
        %dma_wait3A_39 = tpu.memref_slice %arg10[%dma_wait3A_37, %dma_wait3A_38] : memref<102x128xi32, #tpu.memory_space<vmem>> -> memref<56x128xi32, #tpu.memory_space<vmem>>
        %dma_wait3A_40 = arith.constant 0 : i32
        %dma_wait3A_41 = arith.constant 0 : i32
        %dma_wait3A_42 = tpu.memref_slice %arg6[%arg1, %dma_wait3A_40, %dma_wait3A_41] : memref<16x56x128xi32, #tpu.memory_space<hbm>> -> memref<1x56x128xi32, #tpu.memory_space<hbm>>
        %dma_wait3A_43 = tpu.memref_squeeze %dma_wait3A_42 : memref<1x56x128xi32, #tpu.memory_space<hbm>> -> memref<56x128xi32, #tpu.memory_space<hbm>>
        tpu.wait_dma2 semaphore(%run_scoped3A : memref<!tpu.dma_semaphore, #tpu.memory_space<semaphore_mem>>) src(%dma_wait3A_43 : memref<56x128xi32, #tpu.memory_space<hbm>>) dst(%dma_wait3A_39 : memref<56x128xi32, #tpu.memory_space<vmem>>)
        tpu.yield
      }) : () -> ()
      %scan3A = arith.constant 0 : i32
      %scan3A_13 = arith.constant 0 : i32
      %scan3A_14 = arith.constant 56 : i32
      %scan3A_15 = arith.addi %scan3A_13, %scan3A_14 : i32
      %scan3A_16 = arith.constant 1 : i32
      scf.for %scan3A_18 = %scan3A_13 to %scan3A_15 step %scan3A_16  : i32 {
        %dma_start3A = arith.constant 0 : i32
        %dma_start3A_19 = tpu.memref_slice %arg9[%scan3A_18, %dma_start3A] : memref<102x128xi32, #tpu.memory_space<vmem>> -> memref<1x128xi32, #tpu.memory_space<vmem>>
        %dma_start3A_20 = tpu.memref_squeeze %dma_start3A_19 : memref<1x128xi32, #tpu.memory_space<vmem>> -> memref<128xi32, #tpu.memory_space<vmem>>
        %dma_start3A_21 = arith.constant 0 : i32
        %dma_start3A_22 = arith.constant 0 : i32
        %dma_start3A_23 = tpu.memref_slice %arg2[%dma_start3A_21, %dma_start3A_22] : memref<10000x128xf32, #tpu.memory_space<hbm>> -> memref<10000x128xf32, #tpu.memory_space<hbm>>
        tpu.enqueue_indirect_dma source(%dma_start3A_23 : memref<10000x128xf32, #tpu.memory_space<hbm>>) target(%arg11 : memref<128x128xf32, #tpu.memory_space<vmem>>) offsets(%dma_start3A_20 : memref<128xi32, #tpu.memory_space<vmem>>) semaphore(%arg13 : memref<!tpu.dma_semaphore, #tpu.memory_space<semaphore_mem>>)
        %dma_wait3A = arith.constant 0 : i32
        %dma_wait3A_24 = tpu.memref_slice %arg9[%scan3A_18, %dma_wait3A] : memref<102x128xi32, #tpu.memory_space<vmem>> -> memref<1x128xi32, #tpu.memory_space<vmem>>
        %dma_wait3A_25 = tpu.memref_squeeze %dma_wait3A_24 : memref<1x128xi32, #tpu.memory_space<vmem>> -> memref<128xi32, #tpu.memory_space<vmem>>
        %dma_wait3A_26 = arith.constant 0 : i32
        %dma_wait3A_27 = arith.constant 0 : i32
        %dma_wait3A_28 = tpu.memref_slice %arg2[%dma_wait3A_26, %dma_wait3A_27] : memref<10000x128xf32, #tpu.memory_space<hbm>> -> memref<10000x128xf32, #tpu.memory_space<hbm>>
        tpu.wait_indirect_dma semaphore(%arg13 : memref<!tpu.dma_semaphore, #tpu.memory_space<semaphore_mem>>) src(%dma_wait3A_28 : memref<10000x128xf32, #tpu.memory_space<hbm>>) dst(%arg11 : memref<128x128xf32, #tpu.memory_space<vmem>>)
        "tpu.region"() ({
          %run_scoped3A = tpu.sem_alloc : memref<!tpu.dma_semaphore, #tpu.memory_space<semaphore_mem>>
          %dma_start3A_29 = arith.constant 0 : i32
          %dma_start3A_30 = tpu.memref_slice %arg10[%scan3A_18, %dma_start3A_29] : memref<102x128xi32, #tpu.memory_space<vmem>> -> memref<1x128xi32, #tpu.memory_space<vmem>>
          %dma_start3A_31 = tpu.memref_squeeze %dma_start3A_30 : memref<1x128xi32, #tpu.memory_space<vmem>> -> memref<128xi32, #tpu.memory_space<vmem>>
          %dma_start3A_32 = arith.constant 0 : i32
          %dma_start3A_33 = arith.constant 0 : i32
          %dma_start3A_34 = tpu.memref_slice %arg12[%dma_start3A_32, %dma_start3A_33] : memref<10112x128xf32, #tpu.memory_space<vmem_shared>> -> memref<10112x128xf32, #tpu.memory_space<vmem_shared>>
          tpu.enqueue_indirect_dma source(%arg11 : memref<128x128xf32, #tpu.memory_space<vmem>>) target(%dma_start3A_34 : memref<10112x128xf32, #tpu.memory_space<vmem_shared>>) offsets(%dma_start3A_31 : memref<128xi32, #tpu.memory_space<vmem>>) semaphore(%run_scoped3A : memref<!tpu.dma_semaphore, #tpu.memory_space<semaphore_mem>>) {add = true}
          %dma_wait3A_35 = arith.constant 0 : i32
          %dma_wait3A_36 = tpu.memref_slice %arg10[%scan3A_18, %dma_wait3A_35] : memref<102x128xi32, #tpu.memory_space<vmem>> -> memref<1x128xi32, #tpu.memory_space<vmem>>
          %dma_wait3A_37 = tpu.memref_squeeze %dma_wait3A_36 : memref<1x128xi32, #tpu.memory_space<vmem>> -> memref<128xi32, #tpu.memory_space<vmem>>
          %dma_wait3A_38 = arith.constant 0 : i32
          %dma_wait3A_39 = arith.constant 0 : i32
          %dma_wait3A_40 = tpu.memref_slice %arg12[%dma_wait3A_38, %dma_wait3A_39] : memref<10112x128xf32, #tpu.memory_space<vmem_shared>> -> memref<10112x128xf32, #tpu.memory_space<vmem_shared>>
          tpu.wait_indirect_dma semaphore(%run_scoped3A : memref<!tpu.dma_semaphore, #tpu.memory_space<semaphore_mem>>) src(%arg11 : memref<128x128xf32, #tpu.memory_space<vmem>>) dst(%dma_wait3A_40 : memref<10112x128xf32, #tpu.memory_space<vmem_shared>>)
          tpu.yield
        }) : () -> ()
      }
      %scan3A_17 = arith.constant 56 : i32
    } else {
    }
    %barrier3A_8 = arith.constant 0 : index
    tpu.barrier barrier_id(%barrier3A_8)
    %mul3A_9 = arith.constant 632 : i32
    %mul3A_10 = arith.muli %arg1, %mul3A_9 : i32
    %mul3A_11 = arith.constant 632 : i32
    %mul3A_12 = arith.muli %arg1, %mul3A_11 : i32
    "tpu.region"() ({
      %run_scoped3A = tpu.sem_alloc : memref<!tpu.dma_semaphore, #tpu.memory_space<semaphore_mem>>
      %dma_start3A = arith.constant 0 : i32
      %dma_start3A_13 = tpu.memref_slice %arg8[%arg0, %mul3A_12, %dma_start3A] : memref<2x10112x128xf32, #tpu.memory_space<hbm>> -> memref<1x632x128xf32, #tpu.memory_space<hbm>>
      %dma_start3A_14 = tpu.memref_squeeze %dma_start3A_13 : memref<1x632x128xf32, #tpu.memory_space<hbm>> -> memref<632x128xf32, #tpu.memory_space<hbm>>
      %dma_start3A_15 = arith.constant 0 : i32
      %dma_start3A_16 = tpu.memref_slice %arg12[%mul3A_10, %dma_start3A_15] : memref<10112x128xf32, #tpu.memory_space<vmem_shared>> -> memref<632x128xf32, #tpu.memory_space<vmem_shared>>
      tpu.enqueue_dma source(%dma_start3A_16 : memref<632x128xf32, #tpu.memory_space<vmem_shared>>) target(%dma_start3A_14 : memref<632x128xf32, #tpu.memory_space<hbm>>) target_semaphore(%run_scoped3A : memref<!tpu.dma_semaphore, #tpu.memory_space<semaphore_mem>>)
      %dma_wait3A = arith.constant 0 : i32
      %dma_wait3A_17 = tpu.memref_slice %arg8[%arg0, %mul3A_12, %dma_wait3A] : memref<2x10112x128xf32, #tpu.memory_space<hbm>> -> memref<1x632x128xf32, #tpu.memory_space<hbm>>
      %dma_wait3A_18 = tpu.memref_squeeze %dma_wait3A_17 : memref<1x632x128xf32, #tpu.memory_space<hbm>> -> memref<632x128xf32, #tpu.memory_space<hbm>>
      %dma_wait3A_19 = arith.constant 0 : i32
      %dma_wait3A_20 = tpu.memref_slice %arg12[%mul3A_10, %dma_wait3A_19] : memref<10112x128xf32, #tpu.memory_space<vmem_shared>> -> memref<632x128xf32, #tpu.memory_space<vmem_shared>>
      tpu.wait_dma2 semaphore(%run_scoped3A : memref<!tpu.dma_semaphore, #tpu.memory_space<semaphore_mem>>) src(%dma_wait3A_20 : memref<632x128xf32, #tpu.memory_space<vmem_shared>>) dst(%dma_wait3A_18 : memref<632x128xf32, #tpu.memory_space<hbm>>)
      tpu.yield
    }) : () -> ()
    return
  }
}

module attributes {stable_mosaic.version = 14 : i64} {
  func.func @_tc_first(%arg0: i32, %arg1: memref<1000x128xf32, #tpu.memory_space<vmem>>, %arg2: memref<128x128xf32, #tpu.memory_space<vmem>>, %arg3: memref<1x128xf32, #tpu.memory_space<vmem>>, %arg4: memref<128x128xf32, #tpu.memory_space<vmem>>, %arg5: memref<2x1000x128xf32, #tpu.memory_space<vmem>>, %arg6: memref<1000x128xf32, #tpu.memory_space<vmem>>) attributes {dimension_semantics = [#tpu.dimension_semantics<arbitrary>], iteration_bounds = array<i64: 10>, scalar_prefetch = 0 : i64, scratch_operands = 0 : i64, tpu.core_type = #tpu.core_type<tc>, window_params = [{transform_indices = @transform_0, window_bounds = array<i64: 1000, 128>}, {pipeline_mode = #tpu.pipeline_mode<synchronous>, transform_indices = @transform_1, window_bounds = array<i64: 128, 128>}, {pipeline_mode = #tpu.pipeline_mode<synchronous>, transform_indices = @transform_2, window_bounds = array<i64: 1, 128>}, {pipeline_mode = #tpu.pipeline_mode<synchronous>, transform_indices = @transform_3, window_bounds = array<i64: 128, 128>}, {transform_indices = @transform_4, window_bounds = array<i64: 2, 1000, 128>}, {transform_indices = @transform_5, window_bounds = array<i64: 1000, 128>}]} {
    %get3A = arith.constant 0 : index
    %get3A_0 = arith.constant 0 : index
    %get3A_1 = arith.constant 0 : index
    %get3A_2 = vector.load %arg5[%get3A, %get3A_0, %get3A_1] : memref<2x1000x128xf32, #tpu.memory_space<vmem>>, vector<1x1000x1xf32>
    %get3A_3 = vector.shape_cast %get3A_2 : vector<1x1000x1xf32> to vector<1000x1xf32>
    %get3A_4 = arith.constant 1 : index
    %get3A_5 = arith.constant 0 : index
    %get3A_6 = arith.constant 0 : index
    %get3A_7 = vector.load %arg5[%get3A_4, %get3A_5, %get3A_6] : memref<2x1000x128xf32, #tpu.memory_space<vmem>>, vector<1x1000x1xf32>
    %get3A_8 = vector.shape_cast %get3A_7 : vector<1x1000x1xf32> to vector<1000x1xf32>
    %add3A = arith.addf %get3A_3, %get3A_8 : vector<1000x1xf32>
    %add3A_9 = arith.constant 1.000000e+00 : f32
    %add3A_10 = vector.broadcast %add3A_9 : f32 to vector<1000x1xf32>
    %add3A_11 = arith.addf %add3A, %add3A_10 : vector<1000x1xf32>
    %rsqrt3A = math.rsqrt %add3A_11 : vector<1000x1xf32>
    %get3A_12 = arith.constant 0 : index
    %get3A_13 = arith.constant 0 : index
    %get3A_14 = vector.load %arg1[%get3A_12, %get3A_13] : memref<1000x128xf32, #tpu.memory_space<vmem>>, vector<1000x128xf32>
    %get3A_15 = arith.constant 0 : index
    %get3A_16 = arith.constant 0 : index
    %get3A_17 = vector.load %arg2[%get3A_15, %get3A_16] : memref<128x128xf32, #tpu.memory_space<vmem>>, vector<128x128xf32>
    %transpose3A = tpu.transpose %get3A_17, [1, 0] : vector<128x128xf32> -> vector<128x128xf32>
    %dot_general3A = arith.constant dense<0.000000e+00> : vector<1000x128xf32>
    %dot_general3A_18 = tpu.matmul %get3A_14, %transpose3A, %dot_general3A {dimension_numbers = #tpu.dot_dimension_numbers<[1], [0], [0], [1], [0, 0, 1, 1], [], []>, transpose_lhs_hint = false} : vector<1000x128xf32>, vector<128x128xf32>, vector<1000x128xf32> -> vector<1000x128xf32>
    %get3A_19 = arith.constant 0 : index
    %get3A_20 = arith.constant 0 : index
    %get3A_21 = vector.load %arg3[%get3A_19, %get3A_20] : memref<1x128xf32, #tpu.memory_space<vmem>>, vector<1x128xf32>
    %add3A_22 = vector.broadcast %get3A_21 : vector<1x128xf32> to vector<1000x128xf32>
    %add3A_23 = arith.addf %dot_general3A_18, %add3A_22 : vector<1000x128xf32>
    %get3A_24 = arith.constant 0 : index
    %get3A_25 = arith.constant 0 : index
    %get3A_26 = vector.load %arg4[%get3A_24, %get3A_25] : memref<128x128xf32, #tpu.memory_space<vmem>>, vector<128x128xf32>
    %transpose3A_27 = tpu.transpose %get3A_26, [1, 0] : vector<128x128xf32> -> vector<128x128xf32>
    %dot_general3A_28 = arith.constant dense<0.000000e+00> : vector<1000x128xf32>
    %dot_general3A_29 = tpu.matmul %add3A_23, %transpose3A_27, %dot_general3A_28 {dimension_numbers = #tpu.dot_dimension_numbers<[1], [0], [0], [1], [0, 0, 1, 1], [], []>, transpose_lhs_hint = false} : vector<1000x128xf32>, vector<128x128xf32>, vector<1000x128xf32> -> vector<1000x128xf32>
    %mul3A = vector.broadcast %rsqrt3A : vector<1000x1xf32> to vector<1000x128xf32>
    %mul3A_30 = arith.mulf %mul3A, %dot_general3A_29 : vector<1000x128xf32>
    %swap3A = arith.constant 0 : index
    %swap3A_31 = arith.constant 0 : index
    %swap3A_32 = vector.load %arg6[%swap3A, %swap3A_31] : memref<1000x128xf32, #tpu.memory_space<vmem>>, vector<1000x128xf32>
    tpu.vector_store %arg6[%swap3A, %swap3A_31], %mul3A_30 {strides = array<i32>} : memref<1000x128xf32, #tpu.memory_space<vmem>>, vector<1000x128xf32>,
    return
  }
  func.func @transform_0(%arg0: i32) -> (i32, i32) {
    %c0_i32 = arith.constant 0 : i32
    %c0_i32_0 = arith.constant 0 : i32
    return %arg0, %c0_i32 : i32, i32
  }
  func.func @transform_1(%arg0: i32) -> (i32, i32) {
    %c0_i32 = arith.constant 0 : i32
    %c0_i32_0 = arith.constant 0 : i32
    %c0_i32_1 = arith.constant 0 : i32
    return %c0_i32, %c0_i32_0 : i32, i32
  }
  func.func @transform_2(%arg0: i32) -> (i32, i32) {
    %c0_i32 = arith.constant 0 : i32
    %c0_i32_0 = arith.constant 0 : i32
    %c0_i32_1 = arith.constant 0 : i32
    return %c0_i32, %c0_i32_0 : i32, i32
  }
  func.func @transform_3(%arg0: i32) -> (i32, i32) {
    %c0_i32 = arith.constant 0 : i32
    %c0_i32_0 = arith.constant 0 : i32
    %c0_i32_1 = arith.constant 0 : i32
    return %c0_i32, %c0_i32_0 : i32, i32
  }
  func.func @transform_4(%arg0: i32) -> (i32, i32, i32) {
    %c0_i32 = arith.constant 0 : i32
    %c0_i32_0 = arith.constant 0 : i32
    %c0_i32_1 = arith.constant 0 : i32
    return %c0_i32, %arg0, %c0_i32_0 : i32, i32, i32
  }
  func.func @transform_5(%arg0: i32) -> (i32, i32) {
    %c0_i32 = arith.constant 0 : i32
    %c0_i32_0 = arith.constant 0 : i32
    return %arg0, %c0_i32 : i32, i32
  }
}

module attributes {stable_mosaic.version = 14 : i64} {
  func.func @_tc_mid(%arg0: i32, %arg1: memref<2x1000x128xf32, #tpu.memory_space<vmem>>, %arg2: memref<1000x128xf32, #tpu.memory_space<vmem>>, %arg3: memref<2x1000x128xf32, #tpu.memory_space<vmem>>, %arg4: memref<1x128xf32, #tpu.memory_space<vmem>>, %arg5: memref<128x128xf32, #tpu.memory_space<vmem>>, %arg6: memref<1000x128xf32, #tpu.memory_space<vmem>>) attributes {dimension_semantics = [#tpu.dimension_semantics<arbitrary>], iteration_bounds = array<i64: 10>, scalar_prefetch = 0 : i64, scratch_operands = 0 : i64, tpu.core_type = #tpu.core_type<tc>, window_params = [{transform_indices = @transform_0, window_bounds = array<i64: 2, 1000, 128>}, {transform_indices = @transform_1, window_bounds = array<i64: 1000, 128>}, {transform_indices = @transform_2, window_bounds = array<i64: 2, 1000, 128>}, {pipeline_mode = #tpu.pipeline_mode<synchronous>, transform_indices = @transform_3, window_bounds = array<i64: 1, 128>}, {pipeline_mode = #tpu.pipeline_mode<synchronous>, transform_indices = @transform_4, window_bounds = array<i64: 128, 128>}, {transform_indices = @transform_5, window_bounds = array<i64: 1000, 128>}]} {
    %get3A = arith.constant 0 : index
    %get3A_0 = arith.constant 0 : index
    %get3A_1 = arith.constant 0 : index
    %get3A_2 = vector.load %arg3[%get3A, %get3A_0, %get3A_1] : memref<2x1000x128xf32, #tpu.memory_space<vmem>>, vector<1x1000x1xf32>
    %get3A_3 = vector.shape_cast %get3A_2 : vector<1x1000x1xf32> to vector<1000x1xf32>
    %get3A_4 = arith.constant 1 : index
    %get3A_5 = arith.constant 0 : index
    %get3A_6 = arith.constant 0 : index
    %get3A_7 = vector.load %arg3[%get3A_4, %get3A_5, %get3A_6] : memref<2x1000x128xf32, #tpu.memory_space<vmem>>, vector<1x1000x1xf32>
    %get3A_8 = vector.shape_cast %get3A_7 : vector<1x1000x1xf32> to vector<1000x1xf32>
    %add3A = arith.addf %get3A_3, %get3A_8 : vector<1000x1xf32>
    %add3A_9 = arith.constant 1.000000e+00 : f32
    %add3A_10 = vector.broadcast %add3A_9 : f32 to vector<1000x1xf32>
    %add3A_11 = arith.addf %add3A, %add3A_10 : vector<1000x1xf32>
    %rsqrt3A = math.rsqrt %add3A_11 : vector<1000x1xf32>
    %get3A_12 = arith.constant 0 : index
    %get3A_13 = arith.constant 0 : index
    %get3A_14 = arith.constant 0 : index
    %get3A_15 = vector.load %arg1[%get3A_12, %get3A_13, %get3A_14] : memref<2x1000x128xf32, #tpu.memory_space<vmem>>, vector<1x1000x128xf32>
    %get3A_16 = vector.shape_cast %get3A_15 : vector<1x1000x128xf32> to vector<1000x128xf32>
    %get3A_17 = arith.constant 1 : index
    %get3A_18 = arith.constant 0 : index
    %get3A_19 = arith.constant 0 : index
    %get3A_20 = vector.load %arg1[%get3A_17, %get3A_18, %get3A_19] : memref<2x1000x128xf32, #tpu.memory_space<vmem>>, vector<1x1000x128xf32>
    %get3A_21 = vector.shape_cast %get3A_20 : vector<1x1000x128xf32> to vector<1000x128xf32>
    %add3A_22 = arith.addf %get3A_16, %get3A_21 : vector<1000x128xf32>
    %get3A_23 = arith.constant 0 : index
    %get3A_24 = arith.constant 0 : index
    %get3A_25 = vector.load %arg2[%get3A_23, %get3A_24] : memref<1000x128xf32, #tpu.memory_space<vmem>>, vector<1000x128xf32>
    %add3A_26 = arith.addf %add3A_22, %get3A_25 : vector<1000x128xf32>
    %mul3A = vector.broadcast %rsqrt3A : vector<1000x1xf32> to vector<1000x128xf32>
    %mul3A_27 = arith.mulf %mul3A, %add3A_26 : vector<1000x128xf32>
    %get3A_28 = arith.constant 0 : index
    %get3A_29 = arith.constant 0 : index
    %get3A_30 = vector.load %arg4[%get3A_28, %get3A_29] : memref<1x128xf32, #tpu.memory_space<vmem>>, vector<1x128xf32>
    %add3A_31 = vector.broadcast %get3A_30 : vector<1x128xf32> to vector<1000x128xf32>
    %add3A_32 = arith.addf %mul3A_27, %add3A_31 : vector<1000x128xf32>
    %max3A = arith.constant 0.000000e+00 : f32
    %max3A_33 = vector.broadcast %max3A : f32 to vector<1000x128xf32>
    %max3A_34 = arith.maximumf %add3A_32, %max3A_33 : vector<1000x128xf32>
    %get3A_35 = arith.constant 0 : index
    %get3A_36 = arith.constant 0 : index
    %get3A_37 = vector.load %arg5[%get3A_35, %get3A_36] : memref<128x128xf32, #tpu.memory_space<vmem>>, vector<128x128xf32>
    %transpose3A = tpu.transpose %get3A_37, [1, 0] : vector<128x128xf32> -> vector<128x128xf32>
    %dot_general3A = arith.constant dense<0.000000e+00> : vector<1000x128xf32>
    %dot_general3A_38 = tpu.matmul %max3A_34, %transpose3A, %dot_general3A {dimension_numbers = #tpu.dot_dimension_numbers<[1], [0], [0], [1], [0, 0, 1, 1], [], []>, transpose_lhs_hint = false} : vector<1000x128xf32>, vector<128x128xf32>, vector<1000x128xf32> -> vector<1000x128xf32>
    %mul3A_39 = vector.broadcast %rsqrt3A : vector<1000x1xf32> to vector<1000x128xf32>
    %mul3A_40 = arith.mulf %mul3A_39, %dot_general3A_38 : vector<1000x128xf32>
    %swap3A = arith.constant 0 : index
    %swap3A_41 = arith.constant 0 : index
    %swap3A_42 = vector.load %arg6[%swap3A, %swap3A_41] : memref<1000x128xf32, #tpu.memory_space<vmem>>, vector<1000x128xf32>
    tpu.vector_store %arg6[%swap3A, %swap3A_41], %mul3A_40 {strides = array<i32>} : memref<1000x128xf32, #tpu.memory_space<vmem>>, vector<1000x128xf32>,
    return
  }
  func.func @transform_0(%arg0: i32) -> (i32, i32, i32) {
    %c0_i32 = arith.constant 0 : i32
    %c0_i32_0 = arith.constant 0 : i32
    %c0_i32_1 = arith.constant 0 : i32
    return %c0_i32, %arg0, %c0_i32_0 : i32, i32, i32
  }
  func.func @transform_1(%arg0: i32) -> (i32, i32) {
    %c0_i32 = arith.constant 0 : i32
    %c0_i32_0 = arith.constant 0 : i32
    return %arg0, %c0_i32 : i32, i32
  }
  func.func @transform_2(%arg0: i32) -> (i32, i32, i32) {
    %c0_i32 = arith.constant 0 : i32
    %c0_i32_0 = arith.constant 0 : i32
    %c0_i32_1 = arith.constant 0 : i32
    return %c0_i32, %arg0, %c0_i32_0 : i32, i32, i32
  }
  func.func @transform_3(%arg0: i32) -> (i32, i32) {
    %c0_i32 = arith.constant 0 : i32
    %c0_i32_0 = arith.constant 0 : i32
    %c0_i32_1 = arith.constant 0 : i32
    return %c0_i32, %c0_i32_0 : i32, i32
  }
  func.func @transform_4(%arg0: i32) -> (i32, i32) {
    %c0_i32 = arith.constant 0 : i32
    %c0_i32_0 = arith.constant 0 : i32
    %c0_i32_1 = arith.constant 0 : i32
    return %c0_i32, %c0_i32_0 : i32, i32
  }
  func.func @transform_5(%arg0: i32) -> (i32, i32) {
    %c0_i32 = arith.constant 0 : i32
    %c0_i32_0 = arith.constant 0 : i32
    return %arg0, %c0_i32 : i32, i32
  }
}

module attributes {stable_mosaic.version = 14 : i64} {
  func.func @_tc_final(%arg0: i32, %arg1: memref<2x1000x128xf32, #tpu.memory_space<vmem>>, %arg2: memref<1000x128xf32, #tpu.memory_space<vmem>>, %arg3: memref<2x1000x128xf32, #tpu.memory_space<vmem>>, %arg4: memref<1x128xf32, #tpu.memory_space<vmem>>, %arg5: memref<64x128xf32, #tpu.memory_space<vmem>>, %arg6: memref<1x64xf32, #tpu.memory_space<vmem>>, %arg7: memref<1000x64xf32, #tpu.memory_space<vmem>>) attributes {dimension_semantics = [#tpu.dimension_semantics<arbitrary>], iteration_bounds = array<i64: 10>, scalar_prefetch = 0 : i64, scratch_operands = 0 : i64, tpu.core_type = #tpu.core_type<tc>, window_params = [{transform_indices = @transform_0, window_bounds = array<i64: 2, 1000, 128>}, {transform_indices = @transform_1, window_bounds = array<i64: 1000, 128>}, {transform_indices = @transform_2, window_bounds = array<i64: 2, 1000, 128>}, {pipeline_mode = #tpu.pipeline_mode<synchronous>, transform_indices = @transform_3, window_bounds = array<i64: 1, 128>}, {pipeline_mode = #tpu.pipeline_mode<synchronous>, transform_indices = @transform_4, window_bounds = array<i64: 64, 128>}, {pipeline_mode = #tpu.pipeline_mode<synchronous>, transform_indices = @transform_5, window_bounds = array<i64: 1, 64>}, {transform_indices = @transform_6, window_bounds = array<i64: 1000, 64>}]} {
    %get3A = arith.constant 0 : index
    %get3A_0 = arith.constant 0 : index
    %get3A_1 = arith.constant 0 : index
    %get3A_2 = vector.load %arg3[%get3A, %get3A_0, %get3A_1] : memref<2x1000x128xf32, #tpu.memory_space<vmem>>, vector<1x1000x1xf32>
    %get3A_3 = vector.shape_cast %get3A_2 : vector<1x1000x1xf32> to vector<1000x1xf32>
    %get3A_4 = arith.constant 1 : index
    %get3A_5 = arith.constant 0 : index
    %get3A_6 = arith.constant 0 : index
    %get3A_7 = vector.load %arg3[%get3A_4, %get3A_5, %get3A_6] : memref<2x1000x128xf32, #tpu.memory_space<vmem>>, vector<1x1000x1xf32>
    %get3A_8 = vector.shape_cast %get3A_7 : vector<1x1000x1xf32> to vector<1000x1xf32>
    %add3A = arith.addf %get3A_3, %get3A_8 : vector<1000x1xf32>
    %add3A_9 = arith.constant 1.000000e+00 : f32
    %add3A_10 = vector.broadcast %add3A_9 : f32 to vector<1000x1xf32>
    %add3A_11 = arith.addf %add3A, %add3A_10 : vector<1000x1xf32>
    %rsqrt3A = math.rsqrt %add3A_11 : vector<1000x1xf32>
    %get3A_12 = arith.constant 0 : index
    %get3A_13 = arith.constant 0 : index
    %get3A_14 = arith.constant 0 : index
    %get3A_15 = vector.load %arg1[%get3A_12, %get3A_13, %get3A_14] : memref<2x1000x128xf32, #tpu.memory_space<vmem>>, vector<1x1000x128xf32>
    %get3A_16 = vector.shape_cast %get3A_15 : vector<1x1000x128xf32> to vector<1000x128xf32>
    %get3A_17 = arith.constant 1 : index
    %get3A_18 = arith.constant 0 : index
    %get3A_19 = arith.constant 0 : index
    %get3A_20 = vector.load %arg1[%get3A_17, %get3A_18, %get3A_19] : memref<2x1000x128xf32, #tpu.memory_space<vmem>>, vector<1x1000x128xf32>
    %get3A_21 = vector.shape_cast %get3A_20 : vector<1x1000x128xf32> to vector<1000x128xf32>
    %add3A_22 = arith.addf %get3A_16, %get3A_21 : vector<1000x128xf32>
    %get3A_23 = arith.constant 0 : index
    %get3A_24 = arith.constant 0 : index
    %get3A_25 = vector.load %arg2[%get3A_23, %get3A_24] : memref<1000x128xf32, #tpu.memory_space<vmem>>, vector<1000x128xf32>
    %add3A_26 = arith.addf %add3A_22, %get3A_25 : vector<1000x128xf32>
    %mul3A = vector.broadcast %rsqrt3A : vector<1000x1xf32> to vector<1000x128xf32>
    %mul3A_27 = arith.mulf %mul3A, %add3A_26 : vector<1000x128xf32>
    %get3A_28 = arith.constant 0 : index
    %get3A_29 = arith.constant 0 : index
    %get3A_30 = vector.load %arg4[%get3A_28, %get3A_29] : memref<1x128xf32, #tpu.memory_space<vmem>>, vector<1x128xf32>
    %add3A_31 = vector.broadcast %get3A_30 : vector<1x128xf32> to vector<1000x128xf32>
    %add3A_32 = arith.addf %mul3A_27, %add3A_31 : vector<1000x128xf32>
    %max3A = arith.constant 0.000000e+00 : f32
    %max3A_33 = vector.broadcast %max3A : f32 to vector<1000x128xf32>
    %max3A_34 = arith.maximumf %add3A_32, %max3A_33 : vector<1000x128xf32>
    %get3A_35 = arith.constant 0 : index
    %get3A_36 = arith.constant 0 : index
    %get3A_37 = vector.load %arg5[%get3A_35, %get3A_36] : memref<64x128xf32, #tpu.memory_space<vmem>>, vector<64x128xf32>
    %transpose3A = tpu.transpose %get3A_37, [1, 0] : vector<64x128xf32> -> vector<128x64xf32>
    %dot_general3A = arith.constant dense<0.000000e+00> : vector<1000x64xf32>
    %dot_general3A_38 = tpu.matmul %max3A_34, %transpose3A, %dot_general3A {dimension_numbers = #tpu.dot_dimension_numbers<[1], [0], [0], [1], [0, 0, 1, 1], [], []>, transpose_lhs_hint = false} : vector<1000x128xf32>, vector<128x64xf32>, vector<1000x64xf32> -> vector<1000x64xf32>
    %swap3A = arith.constant 0 : index
    %swap3A_39 = arith.constant 0 : index
    %swap3A_40 = vector.load %arg7[%swap3A, %swap3A_39] : memref<1000x64xf32, #tpu.memory_space<vmem>>, vector<1000x64xf32>
    tpu.vector_store %arg7[%swap3A, %swap3A_39], %dot_general3A_38 {strides = array<i32>} : memref<1000x64xf32, #tpu.memory_space<vmem>>, vector<1000x64xf32>,
    %get3A_41 = arith.constant 0 : index
    %get3A_42 = arith.constant 0 : index
    %get3A_43 = vector.load %arg7[%get3A_41, %get3A_42] : memref<1000x64xf32, #tpu.memory_space<vmem>>, vector<1000x64xf32>
    %get3A_44 = arith.constant 0 : index
    %get3A_45 = arith.constant 0 : index
    %get3A_46 = vector.load %arg6[%get3A_44, %get3A_45] : memref<1x64xf32, #tpu.memory_space<vmem>>, vector<1x64xf32>
    %add3A_47 = vector.broadcast %get3A_46 : vector<1x64xf32> to vector<1000x64xf32>
    %add3A_48 = arith.addf %get3A_43, %add3A_47 : vector<1000x64xf32>
    %swap3A_49 = arith.constant 0 : index
    %swap3A_50 = arith.constant 0 : index
    %swap3A_51 = vector.load %arg7[%swap3A_49, %swap3A_50] : memref<1000x64xf32, #tpu.memory_space<vmem>>, vector<1000x64xf32>
    tpu.vector_store %arg7[%swap3A_49, %swap3A_50], %add3A_48 {strides = array<i32>} : memref<1000x64xf32, #tpu.memory_space<vmem>>, vector<1000x64xf32>,
    return
  }
  func.func @transform_0(%arg0: i32) -> (i32, i32, i32) {
    %c0_i32 = arith.constant 0 : i32
    %c0_i32_0 = arith.constant 0 : i32
    %c0_i32_1 = arith.constant 0 : i32
    return %c0_i32, %arg0, %c0_i32_0 : i32, i32, i32
  }
  func.func @transform_1(%arg0: i32) -> (i32, i32) {
    %c0_i32 = arith.constant 0 : i32
    %c0_i32_0 = arith.constant 0 : i32
    return %arg0, %c0_i32 : i32, i32
  }
  func.func @transform_2(%arg0: i32) -> (i32, i32, i32) {
    %c0_i32 = arith.constant 0 : i32
    %c0_i32_0 = arith.constant 0 : i32
    %c0_i32_1 = arith.constant 0 : i32
    return %c0_i32, %arg0, %c0_i32_0 : i32, i32, i32
  }
  func.func @transform_3(%arg0: i32) -> (i32, i32) {
    %c0_i32 = arith.constant 0 : i32
    %c0_i32_0 = arith.constant 0 : i32
    %c0_i32_1 = arith.constant 0 : i32
    return %c0_i32, %c0_i32_0 : i32, i32
  }
  func.func @transform_4(%arg0: i32) -> (i32, i32) {
    %c0_i32 = arith.constant 0 : i32
    %c0_i32_0 = arith.constant 0 : i32
    %c0_i32_1 = arith.constant 0 : i32
    return %c0_i32, %c0_i32_0 : i32, i32
  }
  func.func @transform_5(%arg0: i32) -> (i32, i32) {
    %c0_i32 = arith.constant 0 : i32
    %c0_i32_0 = arith.constant 0 : i32
    %c0_i32_1 = arith.constant 0 : i32
    return %c0_i32, %c0_i32_0 : i32, i32
  }
  func.func @transform_6(%arg0: i32) -> (i32, i32) {
    %c0_i32 = arith.constant 0 : i32
    %c0_i32_0 = arith.constant 0 : i32
    return %arg0, %c0_i32 : i32, i32
  }
}

</mosaic_0001>

<sc_bundles>
// kernel: kernel.10.cloned.1.call-start
scs
__scs_entry_jumppad:
0x0: {  	(pc) =	sbr.rel $0x88, $3  }
0x1: {  	(tag) =	ssettag $0x0;
	lr =	simm.s32 $0x1  }
0x2: {  	[smem:$0x3F95] =	sst lr;
	_ =	strace $0xD0000000  }
0x3: {  	_ = 	snop  }
0x4: {  	_ = 	snop  }
0x5: {  	_ = 	snop  }
0x6: {  	_ = 	snop  }
0x7: {  	_ = 	snop  }
__scs_overlays_trampoline_lowered:
0x8: {  	[smem:$0x3FA4] =	sst s0  }
0x9: {  	[smem:$0x3FA5] =	sst s1  }
0xa: {  	[smem:$0x3FA6] =	sst s2  }
0xb: {  	[smem:$0x3FA7] =	sst s3  }
0xc: {  	[smem:$0x3FA8] =	sst s4  }
0xd: {  	[smem:$0x3FA9] =	sst s5  }
0xe: {  	[smem:$0x3FAA] =	sst s6  }
0xf: {  	[smem:$0x3FAB] =	sst s7  }
0x10: {  	[smem:$0x3FAC] =	sst s8  }
0x11: {  	[smem:$0x3FAD] =	sst s9;
	s0 =	simm.s32 @!p0 $0x0  }
0x12: {  	s1 =	sld [smem:$0x3F93];
	s0 =	simm.s32 @p0 $0x1  }
0x13: {  	[smem:$0x3FAE] =	sst s0;
	s0 =	simm.s32 @!p1 $0x0  }
0x14: {  	s2 =	sld [smem:$0x3F92];
	s0 =	simm.s32 @p1 $0x1  }
0x15: {  	[smem:$0x3FAF] =	sst s0;
	s0 =	simm.s32 @!p2 $0x0  }
0x16: {  	s3 =	sld [smem:$0x3FDB];
	s0 =	simm.s32 @p2 $0x1  }
0x17: {  	s4 =	simm.s32 $0x1BF5;
	[smem:$0x3FB1] =	sst s0  }
0x18: {  	s0 =	sld [smem:$0x3F94];
	_ =	swait.ge [sflag:s4], $0x0  }
0x19: {  	s7 =	sld [smem:$0x3F95]  }
0x1a: {  	s8 =	sadd.s32 $0xFFFFE003, lr  }
0x1b: {  	s9 =	sadd.s32 $0xFFFFFEF7, lr;
	s5 =	simm.s32 $0xFFFFFFFF;
	p2 =	slt.u32 s8, $0xFFFFF086  }
0x1c: {  	p1 =	slt.u32 s9, $0xF7A;
	s5 =	simm.s32 @!p2 $0x0  }
0x1d: {  	s5 =	simm.s32 @p1 $0x1;
	p0 =	seq.s32 s7, s2  }
0x1e: {  	s7 =	smul.u32 @!p0 $0xF7A, s2;
	p2 =	seq.s32 @!p0 s5, $0x0  }
0x1f: {  	s9 =	smul.u32 $0xF7A, s1;
	s8 =	simm.s32 @!p0 $0x1BF5;
	p2 =	por !p2, p0  }
0x20: {  	[sflag:s8] =	ssyncset.s32 @!p0 $0xFFFFF086;
	s6 =	sadd.s32 @!p0 s3, s7;
	s7 =	simm.s32 @!p0 $0x108  }
0x21: {  	s3 =	sadd.s32 s3, s9;
	s6 =	sadd.s32 @!p0 $0x88, s6;
	s7 =	simm.s32 @p2 $0x1082  }
0x22: {  	[simem:s7], [sflag:s8] =	dma.local @!p0 [hbm:s6], $0xF7A  }
0x23: {  	s9 =	sor.u32 $0xD0000000, s2;
	s6 =	simm.s32 $0x108;
	_ =	swait.ge @!p0 [sflag:s8], $0x0  }
0x24: {  	s3 =	sadd.s32 $0x88, s3;
	s6 =	simm.s32 @!p1 $0x1082;
	[sflag:s4] =	ssyncset.s32 $0xFFFFF086  }
0x25: {  	[simem:s6], [sflag:s4] =	dma.local [hbm:s3], $0xF7A  }
0x26: {  	[smem:$0x3F95] =	sst s1;
	(tag) =	ssettag s2;
	_ =	strace s9  }
0x27: {  	s1 =	sld [smem:$0x3FA5]  }
0x28: {  	s2 =	sld [smem:$0x3FA6]  }
0x29: {  	s4 =	sld [smem:$0x3FA8]  }
0x2a: {  	p0 =	seq.s32 s5, $0x0;
	s5 =	sld [smem:$0x3FA9]  }
0x2b: {  	s6 =	sld [smem:$0x3FAA]  }
0x2c: {  	s7 =	sld [smem:$0x3FAB]  }
0x2d: {  	s3 =	simm.s32 $0x108;
	s8 =	sld [smem:$0x3FAC]  }
0x2e: {  	s3 =	simm.s32 @!p0 $0x1082;
	s9 =	sld [smem:$0x3FAD]  }
0x2f: {  	lr =	sadd.s32 s0, s3;
	s0 =	sld [smem:$0x3FA4]  }
0x30: {  	s3 =	sld [smem:$0x3FA7]  }
0x31: {  	[smem:$0x3FB0] =	sst s10  }
0x32: {  	s10 =	sld [smem:$0x3FAE];
	_ =	sdelay $0x3  }
0x33: {  	p0 =	seq.s32 s10, $0x1;
	s10 =	sld [smem:$0x3FB0];
	_ =	sdelay $0x3  }
0x34: {  	[smem:$0x3FB0] =	sst s10  }
0x35: {  	s10 =	sld [smem:$0x3FAF];
	_ =	sdelay $0x3  }
0x36: {  	p1 =	seq.s32 s10, $0x1;
	s10 =	sld [smem:$0x3FB0];
	_ =	sdelay $0x3  }
0x37: {  	[smem:$0x3FB0] =	sst s10  }
0x38: {  	s10 =	sld [smem:$0x3FB1]  }
0x39: {  	_ = 	snop;
	(pc) =	sbr.ind lr, $3  }
0x3a: {  	_ = 	snop  }
0x3b: {  	_ = 	snop  }
0x3c: {  	p2 =	seq.s32 s10, $0x1;
	s10 =	sld [smem:$0x3FB0]  }
0x3d: {  	_ =	shalt  }
0x3e: {  	_ =	shalt  }
0x3f: {  	_ =	shalt  }
0x40: {  	_ =	shalt  }
0x41: {  	_ =	shalt  }
0x42: {  	_ =	shalt  }
0x43: {  	_ =	shalt  }
0x44: {  	_ =	shalt  }
0x45: {  	_ =	shalt  }
0x46: {  	_ =	shalt  }
0x47: {  	_ =	shalt  }
0x48: {  	_ =	shalt  }
0x49: {  	_ =	shalt  }
0x4a: {  	_ =	shalt  }
0x4b: {  	_ =	shalt  }
0x4c: {  	_ =	shalt  }
0x4d: {  	_ =	shalt  }
0x4e: {  	_ =	shalt  }
0x4f: {  	_ =	shalt  }
0x50: {  	_ =	shalt  }
0x51: {  	_ =	shalt  }
0x52: {  	_ =	shalt  }
0x53: {  	_ =	shalt  }
0x54: {  	_ =	shalt  }
0x55: {  	_ =	shalt  }
0x56: {  	_ =	shalt  }
0x57: {  	_ =	shalt  }
0x58: {  	_ =	shalt  }
0x59: {  	_ =	shalt  }
0x5a: {  	_ =	shalt  }
0x5b: {  	_ =	shalt  }
0x5c: {  	_ =	shalt  }
0x5d: {  	_ =	shalt  }
0x5e: {  	_ =	shalt  }
0x5f: {  	_ =	shalt  }
0x60: {  	_ =	shalt  }
0x61: {  	_ =	shalt  }
0x62: {  	_ =	shalt  }
0x63: {  	_ =	shalt  }
0x64: {  	_ =	shalt  }
0x65: {  	_ =	shalt  }
0x66: {  	_ =	shalt  }
0x67: {  	_ =	shalt  }
0x68: {  	_ =	shalt  }
0x69: {  	_ =	shalt  }
0x6a: {  	_ =	shalt  }
0x6b: {  	_ =	shalt  }
0x6c: {  	_ =	shalt  }
0x6d: {  	_ =	shalt  }
0x6e: {  	_ =	shalt  }
0x6f: {  	_ =	shalt  }
0x70: {  	_ =	shalt  }
0x71: {  	_ =	shalt  }
0x72: {  	_ =	shalt  }
0x73: {  	_ =	shalt  }
0x74: {  	_ =	shalt  }
0x75: {  	_ =	shalt  }
0x76: {  	_ =	shalt  }
0x77: {  	_ =	shalt  }
0x78: {  	_ =	shalt  }
0x79: {  	_ =	shalt  }
0x7a: {  	_ =	shalt  }
0x7b: {  	_ =	shalt  }
0x7c: {  	_ =	shalt  }
0x7d: {  	_ =	shalt  }
0x7e: {  	_ =	shalt  }
0x7f: {  	_ =	shalt  }
0x80: {  	_ =	shalt  }
0x81: {  	_ =	shalt  }
0x82: {  	_ =	shalt  }
0x83: {  	_ =	shalt  }
0x84: {  	_ =	shalt  }
0x85: {  	_ =	shalt  }
0x86: {  	_ =	shalt  }
0x87: {  	_ =	shalt  }
.Lfunc_end0:
.L_simem_size_0:
called_computation_lowered:
.L_overlay_start_0:
0x88: {  	s2 =	sld [smem:$0x3FD9]  }
0x89: {  	s3 =	sld [smem:$0x3FFE];
	_ =	sdelay $0x1  }
0x8a: {  	s1 =	srdreg.scid  }
0x8b: {  	s0 =	sand.u32 $0x1, s1  }
0x8c: {  	s17 =	sshll.u32 s0, $0xA;
	s2 =	sadd.s32 s3, s2  }
0x8d: {  	s2 =	sadd.s32 s2, s17  }
0x8e: {  	[smem:$0x3FBC] =	sst s2  }
0x8f: {  	_ = 	snop  }
0x90: {  	s2 =	sld [smem:$0x3FD0];
	(tm) =	ssettm $0x1  }
0x91: {  	s18 =	sld [smem:$0x3FFB];
	_ =	sdelay $0x3  }
0x92: {  	_ =	strace s18  }
0x93: {  	s3 =	sld [smem:$0x3FFC];
	_ =	sdelay $0x3  }
0x94: {  	_ =	strace s3  }
0x95: {  	s3 =	sld [smem:$0x3FFD];
	_ =	sdelay $0x3  }
0x96: {  	_ =	strace s3  }
0x97: {  	_ =	strace $0x8FFFFFFF  }
0x98: {  	s19 =	sld [smem:$0x3FDB];
	_ =	sdelay $0x1  }
0x99: {  	s4 =	simm.s32 $_scs_section_size  }
0x9a: {  	s5 =	simm.s32 $_size__tile_overlayer_lowered;
	s6 =	simm.s32 $_tile_overlayer_lowered  }
0x9b: {  	s22 =	simm.s32 $0x1BFF;
	s21 =	sshll.u32 s6, $0x1;
	s3 =	sadd.s32 s4, s19  }
0x9c: {  	s7 =	simm.s32 $0x0;
	s20 =	sshll.u32 s5, $0x1;
	s5 =	sadd.s32 s21, s3  }
0x9d: {  	[timem:s7], [sflag:s22] =	dma.local [hbm:s5], s20  }
0x9e: {  	_ =	swait.ge [sflag:s22], s20  }
0x9f: {  	s4 =	ssub.s32 $0x0, s20;
	[sflag:s22] =	ssyncset.done $0x0  }
0xa0: {  	[sflag:s22] =	ssyncadd.s32 s4;
	_ =	sdelay $0x1  }
0xa1: {  	s23 =	simm.s32 $0x1B8B  }
0xa2: {  	_ =	swait.ge [sflag:s23], $0x1  }
0xa3: {  	[sflag:s23] =	ssyncset.done $0x0  }
0xa4: {  	s25 =	simm.s32 $0x1B8E;
	s24 =	sld [smem:$0x3FFE];
	[sflag:s23] =	ssyncadd.s32 $0xFFFFFFFF  }
0xa5: {  	s26 =	simm.s32 $execute0_lowered;
	[smem:$0x3FD2] =	sst s25  }
0xa6: {  	s5 =	sshll.u32 s26, $0x1;
	_ =	strace $0x80000046;
	[dreg:$0x1] =	wrdreg $0xFFFFFFFF  }
0xa7: {  	s28 =	simm.s32 $_size_execute0_lowered;
	s3 =	sadd.s32 s3, s5;
	[dreg:$0x0] =	wrdreg $0x0  }
0xa8: {  	s5 =	sshll.u32 s28, $0x1;
	[dreg:$0x2] =	wrdreg s3  }
0xa9: {  	[dreg:$0x3] =	wrdreg s5  }
0xaa: {  	[dreg:$0x4] =	wrdreg $0xC0  }
0xab: {  	_ =	task [dreg:s7], $0x5FFFF  }
0xac: {  	[dreg:$0x1] =	wrdreg $0xFFFFFFFF  }
0xad: {  	[dreg:$0x0] =	wrdreg $0x60  }
0xae: {  	[dreg:$0x2] =	wrdreg s2  }
0xaf: {  	[dreg:$0x3] =	wrdreg s24  }
0xb0: {  	[dreg:$0x4] =	wrdreg $0x68000  }
0xb1: {  	[dreg:$0x5] =	wrdreg $0x9  }
0xb2: {  	_ =	task.clear_ibuf [dreg:s7], $0x6FFFF;
	_ =	strace $0x90000046  }
0xb3: {  	s29 =	simm.s32 $0x9;
	_ =	strace $0x80000048  }
0xb4: {  	_ =	swait.ge [sflag:s29], $0x1  }
0xb5: {  	[sflag:s29] =	ssyncadd.s32 $0xFFFFFFFF  }
0xb6: {  	_ =	strace $0x90000048  }
0xb7: {  	_ =	sfence  }
0xb8: {  	s30 =	sld [smem:$0x0];
	_ =	sdelay $0x2  }
0xb9: {  	s31 =	sshll.u32 s1, $0xD;
	s1 =	sshrl.u32 s1, $0x2  }
0xba: {  	s3 =	sand.u32 $0x4000, s31;
	s1 =	sadd.s32 s1, s30  }
0xbb: {  	s0 =	sor.u32 s3, s0;
	s1 =	sshll.u32 s1, $0x11  }
0xbc: {  	s0 =	sor.u32 s1, s0  }
0xbd: {  	s0 =	sadd.s32 $0x8F2B, s0  }
0xbe: {  	[sflag:s0] =	ssyncadd.remote.s32 $0x1  }
0xbf: {  	_ =	sfence.sel $0xFFFF  }
0xc0: {  	[dreg:$0x0] =	wrdreg $0xFFFFFFFF;
	(pc) =	sbr.abs _section_cstart, $3  }
0xc1: {  	[dreg:$0x1] =	wrdreg $0xFFFFFFFF  }
0xc2: {  	_ =	task.clear_ibuf [dreg:s7], $0x2FFFF;
	_ =	strace $0x9FFFFFFF  }
0xc3: {  	(tm) =	ssettm $0x7FFFFFFF  }
tec
execute0_lowered:
.L_overlay_start_1:
0x0: {  	(tag) =	ssettag $0x1  }
0x1: {  	s7 =	rddreg [dreg:$0x0]  }
0x2: {  	s6 =	rddreg [dreg:$0x1]  }
0x3: {  	s1 =	rddreg [dreg:$0x2]  }
0x4: {  	s2 =	srdreg.scid;
	s0 =	rddreg [dreg:$0x3];
	s3 =	simm.s32 $0x0  }
0x5: {  	s12 =	simm.s32 $0x2800;
	s13 =	simm.s32 $0x80;
	s8 =	sand.u32 $0x1, s2  }
0x6: {  	s14 =	simm.s32 $0x0;
	s2 =	stileid.u32;
	s9 =	smul.u32 $0x13C000, s8  }
0x7: {  	[smem:$0x7FF] =	sst s3;
	s4 =	sadd.s32 $0x3800, s6;
	s10 =	smul.u32 $0x13C00, s2  }
0x8: {  	s5 =	sadd.s32 $0x4000, s6;
	_ =	strace $0x80000047;
	s26 =	smul.u32 $0x4F000, s2  }
0x9: {  	s11 =	sshll.u32 s8, $0x4;
	s28 =	ssub.s32 $0x2, s8;
	s31 =	sshll.u32 s2, $0x6  }
0xa: {  	s29 =	sor.u32 s2, s11;
	s30 =	sshrl.u32 s28, $0x1;
	s9 =	sadd.s32 s10, s9  }
0xb: {  	s10 =	sshrl.u32 s26, $0x2;
	s8 =	smul.u32 $0x500, s29;
	s9 =	sshrl.u32 s9, $0x3  }
0xc: {  	s11 =	ssub.s32 s28, s30;
	s10 =	sadd.s32 s10, s1;
	s9 =	sadd.s32 s9, s6  }
0xd: {  	s6 =	sor.u32 $0x1C01, s31;
	s7 =	sadd.s32 s7, s8;
	s10 =	sshrl.u32 s10, $0x3  }
0xe: {  	s8 =	sadd.s32 $0x6800, s9;
	s9 =	smax.u32 s11, $0x1;
	s11 =	simm.s32 $0x1  }
.LBB2_1:
0xf: {  	[spmem:s10], [sflag:s6] =	dma.local [hbm:s5], $0x2780  }
0x10: {  	_ =	swait.ge [sflag:s11], $0x2780  }
0x11: {  	[sflag:s11] =	ssyncset.done $0x0  }
0x12: {  	[sflag:s11] =	ssyncadd.s32 $0xFFFFD880  }
0x13: {  	[tilespmem:s3], [sflag:$0x1] =	stream.linear.gather [hbm4b:s7+s3], $0x2780, $0x38;
	[tilespmem:$0x1A400] =	vst v63  }
0x14: {  	_ =	swait.ge [sflag:s11], $0x2780  }
0x15: {  	[sflag:s11] =	ssyncset.done $0x0  }
0x16: {  	[sflag:s11] =	ssyncadd.s32 $0xFFFFD880  }
0x17: {  	[tilespmem:s12], [sflag:$0x1] =	stream.linear.gather [hbm4b:s4+s3], $0x4000, $0x38;
	[tilespmem:$0x1A400] =	vst v63  }
0x18: {  	_ =	swait.ge [sflag:s11], $0x4000  }
0x19: {  	[sflag:s11] =	ssyncset.done $0x0  }
0x1a: {  	[sflag:s11] =	ssyncadd.s32 $0xFFFFC000  }
0x1b: {  	s15 =	simm.s32 $0x0;
	[bflag:$0x0] =	sbarrier.arrive $0xFFFF  }
0x1c: {  	[spmem:s1] =	stream.indirect.scatter.add.f32 [tilespmem:s12], [sflag:$0x1], $0x80, s15, s13, $0xb8;
	[tilespmem:$0x1A400] =	vst v63  }
0x1d: {  	_ =	swait.ge [sflag:s11], $0x4000  }
0x1e: {  	s15 =	simm.s32 $0x200;
	[sflag:s11] =	ssyncset.done $0x0  }
.LBB2_2:
0x1f: {  	s16 =	sshra.s32 s15, $0x2;
	[sflag:s11] =	ssyncadd.s32 $0xFFFFC000;
	p0 =	sne.s32 s15, $0x9C00  }
0x20: {  	[spmem:s1] =	stream.indirect.scatter.add.f32 [tilespmem:s12], [sflag:$0x1], $0x80, s16, s13, $0xb8;
	[tilespmem:$0x1A400] =	vst v63  }
.Ltmp0:
0x21: {  	_ = 	snop;
	(pc) =	sbr.rel @p0 .LBB2_2-.Ltmp0, $4  }
0x22: {  	_ = 	snop  }
0x23: {  	s15 =	sadd.s32 $0x200, s15  }
0x24: {  	_ =	swait.ge [sflag:s11], $0x4000  }
0x25: {  	[sflag:s11] =	ssyncset.done $0x0  }
0x26: {  	s14 =	sadd.s32 $0x1, s14  }
0x27: {  	[sflag:s11] =	ssyncadd.s32 $0xFFFFC000;
	p0 =	sne.s32 s14, s9  }
.Ltmp1:
0x28: {  	[bflag:$0x0] =	sbarrier.arrive $0xFFFF;
	(pc) =	sbr.rel @p0 .LBB2_1-.Ltmp1, $4  }
0x29: {  	[hbm:s8], [sflag:s6] =	dma.local [spmem:s10], $0x2780  }
0x2a: {  	_ =	swait.ge [sflag:s11], $0x2780  }
0x2b: {  	[sflag:s11] =	ssyncset.done $0x0  }
0x2c: {  	[sflag:s11] =	ssyncadd.s32 $0xFFFFD880  }
0x2d: {  	_ =	sfence.sel $0x180000  }
0x2e: {  	[bflag:$0x0] =	sbarrier.arrive $0xFFFF  }
0x2f: {  	p0 =	sne.s32 s2, $0x0;
	_ =	strace $0x90000047  }
0x30: {  	s0 =	sadd.s32 @!p0 $0x100000, s0;
	[bflag:$0x2] =	sbarrier.arrive $0xFFFF  }
0x31: {  	[sflag:s0] =	ssyncadd.tile.s32 @!p0 $0x1;
	_ =	shalt  }
.Lfunc_end2:
_tile_overlayer_lowered:
.L_overlay_start_2:
0x32: {  	(tag) =	ssettag $0x2  }
0x33: {  	s0 =	rddreg [dreg:$0x0];
	s2 =	stileid.u32  }
0x34: {  	s1 =	rddreg [dreg:$0x1];
	p0 =	sne.s32 s2, $0x0  }
0x35: {  	s3 =	rddreg [dreg:$0x2];
	[bflag:$0x3] =	sbarrier.arrive $0xFFFF;
	s2 =	simm.s32 @!p0 $0x1C01  }
0x36: {  	[timem:s3], [sflag:s2] =	dma.local @!p0 [hbm:s0], s1  }
0x37: {  	s0 =	simm.s32 @!p0 $0x1  }
0x38: {  	_ =	swait.ge @!p0 [sflag:s0], s1  }
0x39: {  	s1 =	ssub.s32 @!p0 $0x0, s1;
	[sflag:s0] =	ssyncset.done @!p0 $0x0  }
0x3a: {  	[sflag:s0] =	ssyncadd.s32 @!p0 s1  }
0x3b: {  	[bflag:$0x3] =	sbarrier.arrive $0xFFFF  }
0x3c: {  	_ =	shalt  }

// kernel: kernel.13.cloned.1.call-start
scs
__scs_entry_jumppad:
0x0: {  	(pc) =	sbr.rel $0x88, $3  }
0x1: {  	(tag) =	ssettag $0x0;
	lr =	simm.s32 $0x1  }
0x2: {  	[smem:$0x3F95] =	sst lr;
	_ =	strace $0xD0000000  }
0x3: {  	_ = 	snop  }
0x4: {  	_ = 	snop  }
0x5: {  	_ = 	snop  }
0x6: {  	_ = 	snop  }
0x7: {  	_ = 	snop  }
__scs_overlays_trampoline_lowered:
0x8: {  	[smem:$0x3FA4] =	sst s0  }
0x9: {  	[smem:$0x3FA5] =	sst s1  }
0xa: {  	[smem:$0x3FA6] =	sst s2  }
0xb: {  	[smem:$0x3FA7] =	sst s3  }
0xc: {  	[smem:$0x3FA8] =	sst s4  }
0xd: {  	[smem:$0x3FA9] =	sst s5  }
0xe: {  	[smem:$0x3FAA] =	sst s6  }
0xf: {  	[smem:$0x3FAB] =	sst s7  }
0x10: {  	[smem:$0x3FAC] =	sst s8  }
0x11: {  	[smem:$0x3FAD] =	sst s9;
	s0 =	simm.s32 @!p0 $0x0  }
0x12: {  	s1 =	sld [smem:$0x3F93];
	s0 =	simm.s32 @p0 $0x1  }
0x13: {  	[smem:$0x3FAE] =	sst s0;
	s0 =	simm.s32 @!p1 $0x0  }
0x14: {  	s2 =	sld [smem:$0x3F92];
	s0 =	simm.s32 @p1 $0x1  }
0x15: {  	[smem:$0x3FAF] =	sst s0;
	s0 =	simm.s32 @!p2 $0x0  }
0x16: {  	s3 =	sld [smem:$0x3FDB];
	s0 =	simm.s32 @p2 $0x1  }
0x17: {  	s4 =	simm.s32 $0x1BF5;
	[smem:$0x3FB1] =	sst s0  }
0x18: {  	s0 =	sld [smem:$0x3F94];
	_ =	swait.ge [sflag:s4], $0x0  }
0x19: {  	s7 =	sld [smem:$0x3F95]  }
0x1a: {  	s8 =	sadd.s32 $0xFFFFE003, lr  }
0x1b: {  	s9 =	sadd.s32 $0xFFFFFEF7, lr;
	s5 =	simm.s32 $0xFFFFFFFF;
	p2 =	slt.u32 s8, $0xFFFFF086  }
0x1c: {  	p1 =	slt.u32 s9, $0xF7A;
	s5 =	simm.s32 @!p2 $0x0  }
0x1d: {  	s5 =	simm.s32 @p1 $0x1;
	p0 =	seq.s32 s7, s2  }
0x1e: {  	s7 =	smul.u32 @!p0 $0xF7A, s2;
	p2 =	seq.s32 @!p0 s5, $0x0  }
0x1f: {  	s9 =	smul.u32 $0xF7A, s1;
	s8 =	simm.s32 @!p0 $0x1BF5;
	p2 =	por !p2, p0  }
0x20: {  	[sflag:s8] =	ssyncset.s32 @!p0 $0xFFFFF086;
	s6 =	sadd.s32 @!p0 s3, s7;
	s7 =	simm.s32 @!p0 $0x108  }
0x21: {  	s3 =	sadd.s32 s3, s9;
	s6 =	sadd.s32 @!p0 $0x88, s6;
	s7 =	simm.s32 @p2 $0x1082  }
0x22: {  	[simem:s7], [sflag:s8] =	dma.local @!p0 [hbm:s6], $0xF7A  }
0x23: {  	s9 =	sor.u32 $0xD0000000, s2;
	s6 =	simm.s32 $0x108;
	_ =	swait.ge @!p0 [sflag:s8], $0x0  }
0x24: {  	s3 =	sadd.s32 $0x88, s3;
	s6 =	simm.s32 @!p1 $0x1082;
	[sflag:s4] =	ssyncset.s32 $0xFFFFF086  }
0x25: {  	[simem:s6], [sflag:s4] =	dma.local [hbm:s3], $0xF7A  }
0x26: {  	[smem:$0x3F95] =	sst s1;
	(tag) =	ssettag s2;
	_ =	strace s9  }
0x27: {  	s1 =	sld [smem:$0x3FA5]  }
0x28: {  	s2 =	sld [smem:$0x3FA6]  }
0x29: {  	s4 =	sld [smem:$0x3FA8]  }
0x2a: {  	p0 =	seq.s32 s5, $0x0;
	s5 =	sld [smem:$0x3FA9]  }
0x2b: {  	s6 =	sld [smem:$0x3FAA]  }
0x2c: {  	s7 =	sld [smem:$0x3FAB]  }
0x2d: {  	s3 =	simm.s32 $0x108;
	s8 =	sld [smem:$0x3FAC]  }
0x2e: {  	s3 =	simm.s32 @!p0 $0x1082;
	s9 =	sld [smem:$0x3FAD]  }
0x2f: {  	lr =	sadd.s32 s0, s3;
	s0 =	sld [smem:$0x3FA4]  }
0x30: {  	s3 =	sld [smem:$0x3FA7]  }
0x31: {  	[smem:$0x3FB0] =	sst s10  }
0x32: {  	s10 =	sld [smem:$0x3FAE];
	_ =	sdelay $0x3  }
0x33: {  	p0 =	seq.s32 s10, $0x1;
	s10 =	sld [smem:$0x3FB0];
	_ =	sdelay $0x3  }
0x34: {  	[smem:$0x3FB0] =	sst s10  }
0x35: {  	s10 =	sld [smem:$0x3FAF];
	_ =	sdelay $0x3  }
0x36: {  	p1 =	seq.s32 s10, $0x1;
	s10 =	sld [smem:$0x3FB0];
	_ =	sdelay $0x3  }
0x37: {  	[smem:$0x3FB0] =	sst s10  }
0x38: {  	s10 =	sld [smem:$0x3FB1]  }
0x39: {  	_ = 	snop;
	(pc) =	sbr.ind lr, $3  }
0x3a: {  	_ = 	snop  }
0x3b: {  	_ = 	snop  }
0x3c: {  	p2 =	seq.s32 s10, $0x1;
	s10 =	sld [smem:$0x3FB0]  }
0x3d: {  	_ =	shalt  }
0x3e: {  	_ =	shalt  }
0x3f: {  	_ =	shalt  }
0x40: {  	_ =	shalt  }
0x41: {  	_ =	shalt  }
0x42: {  	_ =	shalt  }
0x43: {  	_ =	shalt  }
0x44: {  	_ =	shalt  }
0x45: {  	_ =	shalt  }
0x46: {  	_ =	shalt  }
0x47: {  	_ =	shalt  }
0x48: {  	_ =	shalt  }
0x49: {  	_ =	shalt  }
0x4a: {  	_ =	shalt  }
0x4b: {  	_ =	shalt  }
0x4c: {  	_ =	shalt  }
0x4d: {  	_ =	shalt  }
0x4e: {  	_ =	shalt  }
0x4f: {  	_ =	shalt  }
0x50: {  	_ =	shalt  }
0x51: {  	_ =	shalt  }
0x52: {  	_ =	shalt  }
0x53: {  	_ =	shalt  }
0x54: {  	_ =	shalt  }
0x55: {  	_ =	shalt  }
0x56: {  	_ =	shalt  }
0x57: {  	_ =	shalt  }
0x58: {  	_ =	shalt  }
0x59: {  	_ =	shalt  }
0x5a: {  	_ =	shalt  }
0x5b: {  	_ =	shalt  }
0x5c: {  	_ =	shalt  }
0x5d: {  	_ =	shalt  }
0x5e: {  	_ =	shalt  }
0x5f: {  	_ =	shalt  }
0x60: {  	_ =	shalt  }
0x61: {  	_ =	shalt  }
0x62: {  	_ =	shalt  }
0x63: {  	_ =	shalt  }
0x64: {  	_ =	shalt  }
0x65: {  	_ =	shalt  }
0x66: {  	_ =	shalt  }
0x67: {  	_ =	shalt  }
0x68: {  	_ =	shalt  }
0x69: {  	_ =	shalt  }
0x6a: {  	_ =	shalt  }
0x6b: {  	_ =	shalt  }
0x6c: {  	_ =	shalt  }
0x6d: {  	_ =	shalt  }
0x6e: {  	_ =	shalt  }
0x6f: {  	_ =	shalt  }
0x70: {  	_ =	shalt  }
0x71: {  	_ =	shalt  }
0x72: {  	_ =	shalt  }
0x73: {  	_ =	shalt  }
0x74: {  	_ =	shalt  }
0x75: {  	_ =	shalt  }
0x76: {  	_ =	shalt  }
0x77: {  	_ =	shalt  }
0x78: {  	_ =	shalt  }
0x79: {  	_ =	shalt  }
0x7a: {  	_ =	shalt  }
0x7b: {  	_ =	shalt  }
0x7c: {  	_ =	shalt  }
0x7d: {  	_ =	shalt  }
0x7e: {  	_ =	shalt  }
0x7f: {  	_ =	shalt  }
0x80: {  	_ =	shalt  }
0x81: {  	_ =	shalt  }
0x82: {  	_ =	shalt  }
0x83: {  	_ =	shalt  }
0x84: {  	_ =	shalt  }
0x85: {  	_ =	shalt  }
0x86: {  	_ =	shalt  }
0x87: {  	_ =	shalt  }
.Lfunc_end0:
.L_simem_size_0:
called_computation.1_lowered:
.L_overlay_start_0:
0x88: {  	s2 =	sld [smem:$0x3FD9]  }
0x89: {  	s3 =	sld [smem:$0x3FFE];
	_ =	sdelay $0x1  }
0x8a: {  	s1 =	srdreg.scid  }
0x8b: {  	s0 =	sand.u32 $0x1, s1  }
0x8c: {  	s16 =	sshll.u32 s0, $0xA;
	s2 =	sadd.s32 s3, s2  }
0x8d: {  	s2 =	sadd.s32 s2, s16  }
0x8e: {  	[smem:$0x3FBC] =	sst s2  }
0x8f: {  	_ = 	snop  }
0x90: {  	(tm) =	ssettm $0x1  }
0x91: {  	s17 =	sld [smem:$0x3FFB];
	_ =	sdelay $0x3  }
0x92: {  	_ =	strace s17  }
0x93: {  	s2 =	sld [smem:$0x3FFC];
	_ =	sdelay $0x3  }
0x94: {  	_ =	strace s2  }
0x95: {  	s2 =	sld [smem:$0x3FFD];
	_ =	sdelay $0x3  }
0x96: {  	_ =	strace s2  }
0x97: {  	_ =	strace $0x8FFFFFFF  }
0x98: {  	s18 =	sld [smem:$0x3FDB];
	_ =	sdelay $0x1  }
0x99: {  	s19 =	simm.s32 $_scs_section_size  }
0x9a: {  	s4 =	simm.s32 $_size__tile_overlayer_lowered;
	s5 =	simm.s32 $_tile_overlayer_lowered  }
0x9b: {  	s22 =	simm.s32 $0x1BFF;
	s21 =	sshll.u32 s5, $0x1;
	s2 =	sadd.s32 s19, s18  }
0x9c: {  	s6 =	simm.s32 $0x0;
	s20 =	sshll.u32 s4, $0x1;
	s4 =	sadd.s32 s21, s2  }
0x9d: {  	[timem:s6], [sflag:s22] =	dma.local [hbm:s4], s20  }
0x9e: {  	_ =	swait.ge [sflag:s22], s20  }
0x9f: {  	s3 =	ssub.s32 $0x0, s20;
	[sflag:s22] =	ssyncset.done $0x0  }
0xa0: {  	[sflag:s22] =	ssyncadd.s32 s3;
	_ =	sdelay $0x1  }
0xa1: {  	s23 =	simm.s32 $0x1B8B  }
0xa2: {  	_ =	swait.ge [sflag:s23], $0x1  }
0xa3: {  	[sflag:s23] =	ssyncset.done $0x0  }
0xa4: {  	s25 =	simm.s32 $0x1B8E;
	s24 =	sld [smem:$0x3FFE];
	[sflag:s23] =	ssyncadd.s32 $0xFFFFFFFF  }
0xa5: {  	s26 =	simm.s32 $execute0_lowered;
	[smem:$0x3FD2] =	sst s25  }
0xa6: {  	s4 =	sshll.u32 s26, $0x1;
	_ =	strace $0x80000049;
	[dreg:$0x1] =	wrdreg $0xFFFFFFFF  }
0xa7: {  	s28 =	simm.s32 $_size_execute0_lowered;
	s2 =	sadd.s32 s2, s4;
	[dreg:$0x0] =	wrdreg $0x0  }
0xa8: {  	s4 =	sshll.u32 s28, $0x1;
	[dreg:$0x2] =	wrdreg s2  }
0xa9: {  	[dreg:$0x3] =	wrdreg s4  }
0xaa: {  	[dreg:$0x4] =	wrdreg $0xC0  }
0xab: {  	_ =	task [dreg:s6], $0x5FFFF  }
0xac: {  	[dreg:$0x1] =	wrdreg $0xFFFFFFFF  }
0xad: {  	[dreg:$0x0] =	wrdreg $0x60  }
0xae: {  	[dreg:$0x2] =	wrdreg s24  }
0xaf: {  	[dreg:$0x3] =	wrdreg $0xA8000  }
0xb0: {  	[dreg:$0x4] =	wrdreg $0x9  }
0xb1: {  	_ =	task.clear_ibuf [dreg:s6], $0x5FFFF;
	_ =	strace $0x90000049  }
0xb2: {  	s29 =	simm.s32 $0x9;
	_ =	strace $0x8000004B  }
0xb3: {  	_ =	swait.ge [sflag:s29], $0x1  }
0xb4: {  	[sflag:s29] =	ssyncadd.s32 $0xFFFFFFFF  }
0xb5: {  	_ =	strace $0x9000004B  }
0xb6: {  	_ =	sfence  }
0xb7: {  	s30 =	sld [smem:$0x0];
	_ =	sdelay $0x2  }
0xb8: {  	s31 =	sshll.u32 s1, $0xD;
	s1 =	sshrl.u32 s1, $0x2  }
0xb9: {  	s3 =	sand.u32 $0x4000, s31;
	s1 =	sadd.s32 s1, s30  }
0xba: {  	s0 =	sor.u32 s3, s0;
	s1 =	sshll.u32 s1, $0x11  }
0xbb: {  	s0 =	sor.u32 s1, s0  }
0xbc: {  	s0 =	sadd.s32 $0x8F2B, s0  }
0xbd: {  	[sflag:s0] =	ssyncadd.remote.s32 $0x1  }
0xbe: {  	_ =	sfence.sel $0xFFFF  }
0xbf: {  	[dreg:$0x0] =	wrdreg $0xFFFFFFFF;
	(pc) =	sbr.abs _section_cstart, $3  }
0xc0: {  	[dreg:$0x1] =	wrdreg $0xFFFFFFFF  }
0xc1: {  	_ =	task.clear_ibuf [dreg:s6], $0x2FFFF;
	_ =	strace $0x9FFFFFFF  }
0xc2: {  	(tm) =	ssettm $0x7FFFFFFF  }
0xc3: {  	_ =	shalt  }
tec
execute0_lowered:
.L_overlay_start_1:
0x0: {  	(tag) =	ssettag $0x1  }
0x1: {  	s6 =	rddreg [dreg:$0x0]  }
0x2: {  	s0 =	stileid.u32;
	s1 =	srdreg.scid  }
0x3: {  	s2 =	rddreg [dreg:$0x1];
	s3 =	simm.s32 $0x0;
	s5 =	smul.u32 $0x680, s0  }
0x4: {  	s16 =	simm.s32 $0x80;
	s17 =	simm.s32 $0x6800;
	s7 =	smul.u32 $0x380, s0  }
0x5: {  	s8 =	sand.u32 $0x1, s1;
	s1 =	rddreg [dreg:$0x2];
	s10 =	smul.u32 $0x13C00, s0  }
0x6: {  	s18 =	simm.s32 $0x1;
	[smem:$0x7FF] =	sst s3;
	s28 =	smul.u32 $0x4F000, s0  }
0x7: {  	s4 =	sadd.s32 $0x69800, s6;
	s31 =	sshll.u32 s0, $0x6;
	s9 =	smul.u32 $0x13C000, s8  }
0x8: {  	_ =	strace $0x8000004A;
	s26 =	ssub.s32 $0x2, s8;
	p0 =	seq.s32 s8, $0x1  }
0x9: {  	s11 =	sadd.s32 s5, s6;
	s12 =	sadd.s32 s7, s6;
	s5 =	sadd.s32 $0x4000, s6  }
0xa: {  	s29 =	sshrl.u32 s26, $0x1;
	s30 =	sshrl.u32 s28, $0x2;
	s24 =	sadd.s32 s10, s9  }
.Ltmp0:
0xb: {  	s14 =	ssub.s32 s26, s29;
	s15 =	sadd.s32 s30, s2;
	(pc) =	sbr.rel .LBB2_1-.Ltmp0, $4  }
0xc: {  	s7 =	sadd.s32 $0x5C000, s11;
	s8 =	sadd.s32 $0x55800, s11;
	s9 =	sadd.s32 $0x62800, s12  }
0xd: {  	s10 =	sadd.s32 $0x66000, s12;
	s25 =	sshrl.u32 s24, $0x3;
	s12 =	smax.u32 s14, $0x1  }
0xe: {  	s14 =	simm.s32 $0x2;
	s13 =	sadd.s32 s25, s6;
	s6 =	sor.u32 $0x1C02, s31  }
0xf: {  	s11 =	sadd.s32 $0x90A00, s13;
	s13 =	sshrl.u32 s15, $0x3;
	s15 =	simm.s32 $0x3400  }
.LBB2_7:
0x10: {  	s19 =	sshra.s32 s19, $0x2;
	[sflag:s14] =	ssyncadd.s32 $0xFFFFC000  }
0x11: {  	[tilespmem:s17], [sflag:$0x1] =	stream.indirect.gather [hbm4b:s4+s16], $0x80, s19, s16, $0xb8;
	[tilespmem:$0x1E400] =	vst v63  }
0x12: {  	_ =	swait.ge [sflag:s18], $0x4000  }
0x13: {  	[sflag:s18] =	ssyncset.done $0x0  }
0x14: {  	s19 =	sadd.s32 $0x3400, s19;
	[sflag:s18] =	ssyncadd.s32 $0xFFFFC000  }
0x15: {  	[spmem:s2] =	stream.indirect.scatter.add.f32 [tilespmem:s17], [sflag:$0x2], $0x80, s19, s16, $0xb8;
	[tilespmem:$0x1E400] =	vst v63  }
0x16: {  	_ =	swait.ge [sflag:s14], $0x4000  }
0x17: {  	[sflag:s14] =	ssyncset.done $0x0  }
0x18: {  	[sflag:s14] =	ssyncadd.s32 $0xFFFFC000  }
.LBB2_8:
0x19: {  	s3 =	sadd.s32 $0x1, s3  }
0x1a: {  	p1 =	sne.s32 s3, s12  }
.Ltmp1:
0x1b: {  	[bflag:$0x0] =	sbarrier.arrive $0xFFFF;
	(pc) =	sbr.rel @!p1 .LBB2_9-.Ltmp1, $4  }
0x1c: {  	[hbm:s11], [sflag:s6] =	dma.local [spmem:s13], $0x2780  }
0x1d: {  	_ =	swait.ge [sflag:s14], $0x2780  }
0x1e: {  	[sflag:s14] =	ssyncset.done $0x0  }
0x1f: {  	[sflag:s14] =	ssyncadd.s32 $0xFFFFD880  }
.LBB2_1:
0x20: {  	[spmem:s13], [sflag:s6] =	dma.local [hbm:s5], $0x2780  }
.Ltmp2:
0x21: {  	_ =	swait.ge [sflag:s14], $0x2780;
	(pc) =	sbr.rel @!p0 .LBB2_2-.Ltmp2, $4  }
0x22: {  	[sflag:s14] =	ssyncset.done $0x0  }
0x23: {  	[sflag:s14] =	ssyncadd.s32 $0xFFFFD880  }
0x24: {  	[bflag:$0x0] =	sbarrier.arrive $0xFFFF  }
0x25: {  	s19 =	simm.s32 $0x0  }
0x26: {  	[tilespmem:s19], [sflag:$0x2] =	stream.linear.gather [hbm4b:s9+s19], $0x1C00, $0x38;
	[tilespmem:$0x1E400] =	vst v63  }
0x27: {  	_ =	swait.ge [sflag:s14], $0x1C00  }
0x28: {  	[sflag:s14] =	ssyncset.done $0x0  }
0x29: {  	[sflag:s14] =	ssyncadd.s32 $0xFFFFE400  }
0x2a: {  	[tilespmem:s15], [sflag:$0x2] =	stream.linear.gather [hbm4b:s10+s19], $0x1C00, $0x38;
	[tilespmem:$0x1E400] =	vst v63  }
0x2b: {  	_ =	swait.ge [sflag:s14], $0x1C00  }
0x2c: {  	[sflag:s14] =	ssyncset.done $0x0  }
0x2d: {  	s30 =	simm.s32 $0x0;
	[sflag:s14] =	ssyncadd.s32 $0xFFFFE400  }
0x2e: {  	[tilespmem:s17], [sflag:$0x1] =	stream.indirect.gather [hbm4b:s4+s16], $0x80, s30, s16, $0xb8;
	[tilespmem:$0x1E400] =	vst v63  }
0x2f: {  	_ =	swait.ge [sflag:s18], $0x4000  }
0x30: {  	[sflag:s18] =	ssyncset.done $0x0  }
0x31: {  	s31 =	simm.s32 $0x3400;
	[sflag:s18] =	ssyncadd.s32 $0xFFFFC000  }
0x32: {  	[spmem:s2] =	stream.indirect.scatter.add.f32 [tilespmem:s17], [sflag:$0x2], $0x80, s31, s16, $0xb8;
	[tilespmem:$0x1E400] =	vst v63  }
0x33: {  	_ =	swait.ge [sflag:s14], $0x4000  }
0x34: {  	s20 =	simm.s32 $0x400;
	s19 =	simm.s32 $0x200;
	[sflag:s14] =	ssyncset.done $0x0  }
.LBB2_6:
0x35: {  	s21 =	sshra.s32 s19, $0x2  }
0x36: {  	[sflag:s14] =	ssyncadd.s32 $0xFFFFC000;
	s19 =	smov.u32 s20;
	s22 =	sadd.s32 $0x200, s20  }
0x37: {  	[tilespmem:s17], [sflag:$0x1] =	stream.indirect.gather [hbm4b:s4+s16], $0x80, s21, s16, $0xb8;
	[tilespmem:$0x1E400] =	vst v63  }
0x38: {  	p1 =	sne.s32 s20, $0x6E00;
	_ =	swait.ge [sflag:s18], $0x4000  }
.Ltmp3:
0x39: {  	[sflag:s18] =	ssyncset.done $0x0;
	(pc) =	sbr.rel @p1 .LBB2_6-.Ltmp3, $4  }
0x3a: {  	s20 =	sadd.s32 $0x3400, s21;
	[sflag:s18] =	ssyncadd.s32 $0xFFFFC000  }
0x3b: {  	[spmem:s2] =	stream.indirect.scatter.add.f32 [tilespmem:s17], [sflag:$0x2], $0x80, s20, s16, $0xb8;
	[tilespmem:$0x1E400] =	vst v63  }
0x3c: {  	_ =	swait.ge [sflag:s14], $0x4000  }
0x3d: {  	s20 =	smov.u32 s22;
	[sflag:s14] =	ssyncset.done $0x0  }
.Ltmp4:
0x3e: {  	_ = 	snop;
	(pc) =	sbr.rel .LBB2_7-.Ltmp4, $1  }
0x3f: {  	_ =	sdelay $0x3  }
.LBB2_2:
0x40: {  	[tilespmem:s19], [sflag:$0x2] =	stream.linear.gather [hbm4b:s7+s19], $0x3300, $0x38;
	[tilespmem:$0x1E400] =	vst v63  }
0x41: {  	_ =	swait.ge [sflag:s14], $0x3300  }
0x42: {  	[sflag:s14] =	ssyncset.done $0x0  }
0x43: {  	[sflag:s14] =	ssyncadd.s32 $0xFFFFCD00  }
0x44: {  	[tilespmem:s15], [sflag:$0x2] =	stream.linear.gather [hbm4b:s8+s19], $0x3300, $0x38;
	[tilespmem:$0x1E400] =	vst v63  }
0x45: {  	_ =	swait.ge [sflag:s14], $0x3300  }
0x46: {  	[sflag:s14] =	ssyncset.done $0x0  }
0x47: {  	s30 =	simm.s32 $0x0;
	[sflag:s14] =	ssyncadd.s32 $0xFFFFCD00  }
0x48: {  	[tilespmem:s17], [sflag:$0x1] =	stream.indirect.gather [hbm4b:s4+s16], $0x80, s30, s16, $0xb8;
	[tilespmem:$0x1E400] =	vst v63  }
0x49: {  	_ =	swait.ge [sflag:s18], $0x4000  }
0x4a: {  	[sflag:s18] =	ssyncset.done $0x0  }
0x4b: {  	s31 =	simm.s32 $0x3400;
	[sflag:s18] =	ssyncadd.s32 $0xFFFFC000  }
0x4c: {  	[spmem:s2] =	stream.indirect.scatter.add.f32 [tilespmem:s17], [sflag:$0x2], $0x80, s31, s16, $0xb8;
	[tilespmem:$0x1E400] =	vst v63  }
0x4d: {  	_ =	swait.ge [sflag:s14], $0x4000  }
0x4e: {  	s20 =	simm.s32 $0x400;
	s19 =	simm.s32 $0x200;
	[sflag:s14] =	ssyncset.done $0x0  }
.LBB2_3:
0x4f: {  	s21 =	sshra.s32 s19, $0x2  }
0x50: {  	[sflag:s14] =	ssyncadd.s32 $0xFFFFC000;
	s19 =	smov.u32 s20;
	s22 =	sadd.s32 $0x200, s20  }
0x51: {  	[tilespmem:s17], [sflag:$0x1] =	stream.indirect.gather [hbm4b:s4+s16], $0x80, s21, s16, $0xb8;
	[tilespmem:$0x1E400] =	vst v63  }
0x52: {  	p1 =	seq.s32 s20, $0xCA00;
	_ =	swait.ge [sflag:s18], $0x4000  }
.Ltmp5:
0x53: {  	[sflag:s18] =	ssyncset.done $0x0;
	(pc) =	sbr.rel @!p1 .LBB2_3-.Ltmp5, $4  }
0x54: {  	s20 =	sadd.s32 $0x3400, s21;
	[sflag:s18] =	ssyncadd.s32 $0xFFFFC000  }
0x55: {  	[spmem:s2] =	stream.indirect.scatter.add.f32 [tilespmem:s17], [sflag:$0x2], $0x80, s20, s16, $0xb8;
	[tilespmem:$0x1E400] =	vst v63  }
0x56: {  	_ =	swait.ge [sflag:s14], $0x4000  }
0x57: {  	s20 =	smov.u32 s22;
	[sflag:s14] =	ssyncset.done $0x0  }
0x58: {  	s19 =	sshra.s32 s19, $0x2;
	[sflag:s14] =	ssyncadd.s32 $0xFFFFC000  }
0x59: {  	[tilespmem:s17], [sflag:$0x1] =	stream.indirect.gather [hbm4b:s4+s16], $0x80, s19, s16, $0xb8;
	[tilespmem:$0x1E400] =	vst v63  }
0x5a: {  	_ =	swait.ge [sflag:s18], $0x4000  }
0x5b: {  	[sflag:s18] =	ssyncset.done $0x0  }
.Ltmp6:
0x5c: {  	s19 =	sadd.s32 $0x3400, s19;
	[sflag:s18] =	ssyncadd.s32 $0xFFFFC000;
	(pc) =	sbr.rel .LBB2_8-.Ltmp6, $4  }
0x5d: {  	[spmem:s2] =	stream.indirect.scatter.add.f32 [tilespmem:s17], [sflag:$0x2], $0x80, s19, s16, $0xb8;
	[tilespmem:$0x1E400] =	vst v63  }
0x5e: {  	_ =	swait.ge [sflag:s14], $0x4000  }
0x5f: {  	[sflag:s14] =	ssyncset.done $0x0  }
0x60: {  	[sflag:s14] =	ssyncadd.s32 $0xFFFFC000  }
.LBB2_9:
0x61: {  	_ =	sfence.sel $0x180000  }
0x62: {  	[bflag:$0x0] =	sbarrier.arrive $0xFFFF  }
0x63: {  	p0 =	sne.s32 s0, $0x0;
	_ =	strace $0x9000004A  }
0x64: {  	s0 =	sadd.s32 @!p0 $0x100000, s1;
	[bflag:$0x2] =	sbarrier.arrive $0xFFFF  }
0x65: {  	[sflag:s0] =	ssyncadd.tile.s32 @!p0 $0x1;
	_ =	shalt  }
.Lfunc_end2:
_tile_overlayer_lowered:
.L_overlay_start_2:
0x66: {  	(tag) =	ssettag $0x2  }
0x67: {  	s0 =	rddreg [dreg:$0x0];
	s2 =	stileid.u32  }
0x68: {  	s1 =	rddreg [dreg:$0x1];
	p0 =	sne.s32 s2, $0x0  }
0x69: {  	s3 =	rddreg [dreg:$0x2];
	[bflag:$0x3] =	sbarrier.arrive $0xFFFF;
	s2 =	simm.s32 @!p0 $0x1C02  }
0x6a: {  	[timem:s3], [sflag:s2] =	dma.local @!p0 [hbm:s0], s1  }
0x6b: {  	s0 =	simm.s32 @!p0 $0x2  }
0x6c: {  	_ =	swait.ge @!p0 [sflag:s0], s1  }
0x6d: {  	s1 =	ssub.s32 @!p0 $0x0, s1;
	[sflag:s0] =	ssyncset.done @!p0 $0x0  }
0x6e: {  	[sflag:s0] =	ssyncadd.s32 @!p0 s1  }
0x6f: {  	[bflag:$0x3] =	sbarrier.arrive $0xFFFF  }
0x70: {  	_ =	shalt  }

// kernel: kernel.16.cloned.1.call-start
scs
__scs_entry_jumppad:
0x0: {  	(pc) =	sbr.rel $0x88, $3  }
0x1: {  	(tag) =	ssettag $0x0;
	lr =	simm.s32 $0x1  }
0x2: {  	[smem:$0x3F95] =	sst lr;
	_ =	strace $0xD0000000  }
0x3: {  	_ = 	snop  }
0x4: {  	_ = 	snop  }
0x5: {  	_ = 	snop  }
0x6: {  	_ = 	snop  }
0x7: {  	_ = 	snop  }
__scs_overlays_trampoline_lowered:
0x8: {  	[smem:$0x3FA4] =	sst s0  }
0x9: {  	[smem:$0x3FA5] =	sst s1  }
0xa: {  	[smem:$0x3FA6] =	sst s2  }
0xb: {  	[smem:$0x3FA7] =	sst s3  }
0xc: {  	[smem:$0x3FA8] =	sst s4  }
0xd: {  	[smem:$0x3FA9] =	sst s5  }
0xe: {  	[smem:$0x3FAA] =	sst s6  }
0xf: {  	[smem:$0x3FAB] =	sst s7  }
0x10: {  	[smem:$0x3FAC] =	sst s8  }
0x11: {  	[smem:$0x3FAD] =	sst s9;
	s0 =	simm.s32 @!p0 $0x0  }
0x12: {  	s1 =	sld [smem:$0x3F93];
	s0 =	simm.s32 @p0 $0x1  }
0x13: {  	[smem:$0x3FAE] =	sst s0;
	s0 =	simm.s32 @!p1 $0x0  }
0x14: {  	s2 =	sld [smem:$0x3F92];
	s0 =	simm.s32 @p1 $0x1  }
0x15: {  	[smem:$0x3FAF] =	sst s0;
	s0 =	simm.s32 @!p2 $0x0  }
0x16: {  	s3 =	sld [smem:$0x3FDB];
	s0 =	simm.s32 @p2 $0x1  }
0x17: {  	s4 =	simm.s32 $0x1BF5;
	[smem:$0x3FB1] =	sst s0  }
0x18: {  	s0 =	sld [smem:$0x3F94];
	_ =	swait.ge [sflag:s4], $0x0  }
0x19: {  	s7 =	sld [smem:$0x3F95]  }
0x1a: {  	s8 =	sadd.s32 $0xFFFFE003, lr  }
0x1b: {  	s9 =	sadd.s32 $0xFFFFFEF7, lr;
	s5 =	simm.s32 $0xFFFFFFFF;
	p2 =	slt.u32 s8, $0xFFFFF086  }
0x1c: {  	p1 =	slt.u32 s9, $0xF7A;
	s5 =	simm.s32 @!p2 $0x0  }
0x1d: {  	s5 =	simm.s32 @p1 $0x1;
	p0 =	seq.s32 s7, s2  }
0x1e: {  	s7 =	smul.u32 @!p0 $0xF7A, s2;
	p2 =	seq.s32 @!p0 s5, $0x0  }
0x1f: {  	s9 =	smul.u32 $0xF7A, s1;
	s8 =	simm.s32 @!p0 $0x1BF5;
	p2 =	por !p2, p0  }
0x20: {  	[sflag:s8] =	ssyncset.s32 @!p0 $0xFFFFF086;
	s6 =	sadd.s32 @!p0 s3, s7;
	s7 =	simm.s32 @!p0 $0x108  }
0x21: {  	s3 =	sadd.s32 s3, s9;
	s6 =	sadd.s32 @!p0 $0x88, s6;
	s7 =	simm.s32 @p2 $0x1082  }
0x22: {  	[simem:s7], [sflag:s8] =	dma.local @!p0 [hbm:s6], $0xF7A  }
0x23: {  	s9 =	sor.u32 $0xD0000000, s2;
	s6 =	simm.s32 $0x108;
	_ =	swait.ge @!p0 [sflag:s8], $0x0  }
0x24: {  	s3 =	sadd.s32 $0x88, s3;
	s6 =	simm.s32 @!p1 $0x1082;
	[sflag:s4] =	ssyncset.s32 $0xFFFFF086  }
0x25: {  	[simem:s6], [sflag:s4] =	dma.local [hbm:s3], $0xF7A  }
0x26: {  	[smem:$0x3F95] =	sst s1;
	(tag) =	ssettag s2;
	_ =	strace s9  }
0x27: {  	s1 =	sld [smem:$0x3FA5]  }
0x28: {  	s2 =	sld [smem:$0x3FA6]  }
0x29: {  	s4 =	sld [smem:$0x3FA8]  }
0x2a: {  	p0 =	seq.s32 s5, $0x0;
	s5 =	sld [smem:$0x3FA9]  }
0x2b: {  	s6 =	sld [smem:$0x3FAA]  }
0x2c: {  	s7 =	sld [smem:$0x3FAB]  }
0x2d: {  	s3 =	simm.s32 $0x108;
	s8 =	sld [smem:$0x3FAC]  }
0x2e: {  	s3 =	simm.s32 @!p0 $0x1082;
	s9 =	sld [smem:$0x3FAD]  }
0x2f: {  	lr =	sadd.s32 s0, s3;
	s0 =	sld [smem:$0x3FA4]  }
0x30: {  	s3 =	sld [smem:$0x3FA7]  }
0x31: {  	[smem:$0x3FB0] =	sst s10  }
0x32: {  	s10 =	sld [smem:$0x3FAE];
	_ =	sdelay $0x3  }
0x33: {  	p0 =	seq.s32 s10, $0x1;
	s10 =	sld [smem:$0x3FB0];
	_ =	sdelay $0x3  }
0x34: {  	[smem:$0x3FB0] =	sst s10  }
0x35: {  	s10 =	sld [smem:$0x3FAF];
	_ =	sdelay $0x3  }
0x36: {  	p1 =	seq.s32 s10, $0x1;
	s10 =	sld [smem:$0x3FB0];
	_ =	sdelay $0x3  }
0x37: {  	[smem:$0x3FB0] =	sst s10  }
0x38: {  	s10 =	sld [smem:$0x3FB1]  }
0x39: {  	_ = 	snop;
	(pc) =	sbr.ind lr, $3  }
0x3a: {  	_ = 	snop  }
0x3b: {  	_ = 	snop  }
0x3c: {  	p2 =	seq.s32 s10, $0x1;
	s10 =	sld [smem:$0x3FB0]  }
0x3d: {  	_ =	shalt  }
0x3e: {  	_ =	shalt  }
0x3f: {  	_ =	shalt  }
0x40: {  	_ =	shalt  }
0x41: {  	_ =	shalt  }
0x42: {  	_ =	shalt  }
0x43: {  	_ =	shalt  }
0x44: {  	_ =	shalt  }
0x45: {  	_ =	shalt  }
0x46: {  	_ =	shalt  }
0x47: {  	_ =	shalt  }
0x48: {  	_ =	shalt  }
0x49: {  	_ =	shalt  }
0x4a: {  	_ =	shalt  }
0x4b: {  	_ =	shalt  }
0x4c: {  	_ =	shalt  }
0x4d: {  	_ =	shalt  }
0x4e: {  	_ =	shalt  }
0x4f: {  	_ =	shalt  }
0x50: {  	_ =	shalt  }
0x51: {  	_ =	shalt  }
0x52: {  	_ =	shalt  }
0x53: {  	_ =	shalt  }
0x54: {  	_ =	shalt  }
0x55: {  	_ =	shalt  }
0x56: {  	_ =	shalt  }
0x57: {  	_ =	shalt  }
0x58: {  	_ =	shalt  }
0x59: {  	_ =	shalt  }
0x5a: {  	_ =	shalt  }
0x5b: {  	_ =	shalt  }
0x5c: {  	_ =	shalt  }
0x5d: {  	_ =	shalt  }
0x5e: {  	_ =	shalt  }
0x5f: {  	_ =	shalt  }
0x60: {  	_ =	shalt  }
0x61: {  	_ =	shalt  }
0x62: {  	_ =	shalt  }
0x63: {  	_ =	shalt  }
0x64: {  	_ =	shalt  }
0x65: {  	_ =	shalt  }
0x66: {  	_ =	shalt  }
0x67: {  	_ =	shalt  }
0x68: {  	_ =	shalt  }
0x69: {  	_ =	shalt  }
0x6a: {  	_ =	shalt  }
0x6b: {  	_ =	shalt  }
0x6c: {  	_ =	shalt  }
0x6d: {  	_ =	shalt  }
0x6e: {  	_ =	shalt  }
0x6f: {  	_ =	shalt  }
0x70: {  	_ =	shalt  }
0x71: {  	_ =	shalt  }
0x72: {  	_ =	shalt  }
0x73: {  	_ =	shalt  }
0x74: {  	_ =	shalt  }
0x75: {  	_ =	shalt  }
0x76: {  	_ =	shalt  }
0x77: {  	_ =	shalt  }
0x78: {  	_ =	shalt  }
0x79: {  	_ =	shalt  }
0x7a: {  	_ =	shalt  }
0x7b: {  	_ =	shalt  }
0x7c: {  	_ =	shalt  }
0x7d: {  	_ =	shalt  }
0x7e: {  	_ =	shalt  }
0x7f: {  	_ =	shalt  }
0x80: {  	_ =	shalt  }
0x81: {  	_ =	shalt  }
0x82: {  	_ =	shalt  }
0x83: {  	_ =	shalt  }
0x84: {  	_ =	shalt  }
0x85: {  	_ =	shalt  }
0x86: {  	_ =	shalt  }
0x87: {  	_ =	shalt  }
.Lfunc_end0:
.L_simem_size_0:
called_computation.2_lowered:
.L_overlay_start_0:
0x88: {  	s2 =	sld [smem:$0x3FD9]  }
0x89: {  	s3 =	sld [smem:$0x3FFE];
	_ =	sdelay $0x1  }
0x8a: {  	s1 =	srdreg.scid  }
0x8b: {  	s0 =	sand.u32 $0x1, s1  }
0x8c: {  	s16 =	sshll.u32 s0, $0xA;
	s2 =	sadd.s32 s3, s2  }
0x8d: {  	s2 =	sadd.s32 s2, s16  }
0x8e: {  	[smem:$0x3FBC] =	sst s2  }
0x8f: {  	_ = 	snop  }
0x90: {  	(tm) =	ssettm $0x1  }
0x91: {  	s17 =	sld [smem:$0x3FFB];
	_ =	sdelay $0x3  }
0x92: {  	_ =	strace s17  }
0x93: {  	s2 =	sld [smem:$0x3FFC];
	_ =	sdelay $0x3  }
0x94: {  	_ =	strace s2  }
0x95: {  	s2 =	sld [smem:$0x3FFD];
	_ =	sdelay $0x3  }
0x96: {  	_ =	strace s2  }
0x97: {  	_ =	strace $0x8FFFFFFF  }
0x98: {  	s18 =	sld [smem:$0x3FDB];
	_ =	sdelay $0x1  }
0x99: {  	s19 =	simm.s32 $_scs_section_size  }
0x9a: {  	s4 =	simm.s32 $_size__tile_overlayer_lowered;
	s5 =	simm.s32 $_tile_overlayer_lowered  }
0x9b: {  	s22 =	simm.s32 $0x1BFF;
	s21 =	sshll.u32 s5, $0x1;
	s2 =	sadd.s32 s19, s18  }
0x9c: {  	s6 =	simm.s32 $0x0;
	s20 =	sshll.u32 s4, $0x1;
	s4 =	sadd.s32 s21, s2  }
0x9d: {  	[timem:s6], [sflag:s22] =	dma.local [hbm:s4], s20  }
0x9e: {  	_ =	swait.ge [sflag:s22], s20  }
0x9f: {  	s3 =	ssub.s32 $0x0, s20;
	[sflag:s22] =	ssyncset.done $0x0  }
0xa0: {  	[sflag:s22] =	ssyncadd.s32 s3;
	_ =	sdelay $0x1  }
0xa1: {  	s23 =	simm.s32 $0x1B8B  }
0xa2: {  	_ =	swait.ge [sflag:s23], $0x1  }
0xa3: {  	[sflag:s23] =	ssyncset.done $0x0  }
0xa4: {  	s25 =	simm.s32 $0x1B8E;
	s24 =	sld [smem:$0x3FFE];
	[sflag:s23] =	ssyncadd.s32 $0xFFFFFFFF  }
0xa5: {  	s26 =	simm.s32 $execute0_lowered;
	[smem:$0x3FD2] =	sst s25  }
0xa6: {  	s4 =	sshll.u32 s26, $0x1;
	_ =	strace $0x8000004C;
	[dreg:$0x1] =	wrdreg $0xFFFFFFFF  }
0xa7: {  	s28 =	simm.s32 $_size_execute0_lowered;
	s2 =	sadd.s32 s2, s4;
	[dreg:$0x0] =	wrdreg $0x0  }
0xa8: {  	s4 =	sshll.u32 s28, $0x1;
	[dreg:$0x2] =	wrdreg s2  }
0xa9: {  	[dreg:$0x3] =	wrdreg s4  }
0xaa: {  	[dreg:$0x4] =	wrdreg $0xC0  }
0xab: {  	_ =	task [dreg:s6], $0x5FFFF  }
0xac: {  	[dreg:$0x1] =	wrdreg $0xFFFFFFFF  }
0xad: {  	[dreg:$0x0] =	wrdreg $0x60  }
0xae: {  	[dreg:$0x2] =	wrdreg s24  }
0xaf: {  	[dreg:$0x3] =	wrdreg $0xA8000  }
0xb0: {  	[dreg:$0x4] =	wrdreg $0x9  }
0xb1: {  	_ =	task.clear_ibuf [dreg:s6], $0x5FFFF;
	_ =	strace $0x9000004C  }
0xb2: {  	s29 =	simm.s32 $0x9;
	_ =	strace $0x8000004E  }
0xb3: {  	_ =	swait.ge [sflag:s29], $0x1  }
0xb4: {  	[sflag:s29] =	ssyncadd.s32 $0xFFFFFFFF  }
0xb5: {  	_ =	strace $0x9000004E  }
0xb6: {  	_ =	sfence  }
0xb7: {  	s30 =	sld [smem:$0x0];
	_ =	sdelay $0x2  }
0xb8: {  	s31 =	sshll.u32 s1, $0xD;
	s1 =	sshrl.u32 s1, $0x2  }
0xb9: {  	s3 =	sand.u32 $0x4000, s31;
	s1 =	sadd.s32 s1, s30  }
0xba: {  	s0 =	sor.u32 s3, s0;
	s1 =	sshll.u32 s1, $0x11  }
0xbb: {  	s0 =	sor.u32 s1, s0  }
0xbc: {  	s0 =	sadd.s32 $0x8F2B, s0  }
0xbd: {  	[sflag:s0] =	ssyncadd.remote.s32 $0x1  }
0xbe: {  	_ =	sfence.sel $0xFFFF  }
0xbf: {  	[dreg:$0x0] =	wrdreg $0xFFFFFFFF;
	(pc) =	sbr.abs _section_cstart, $3  }
0xc0: {  	[dreg:$0x1] =	wrdreg $0xFFFFFFFF  }
0xc1: {  	_ =	task.clear_ibuf [dreg:s6], $0x2FFFF;
	_ =	strace $0x9FFFFFFF  }
0xc2: {  	(tm) =	ssettm $0x7FFFFFFF  }
0xc3: {  	_ =	shalt  }
tec
execute0_lowered:
.L_overlay_start_1:
0x0: {  	(tag) =	ssettag $0x1  }
0x1: {  	s6 =	rddreg [dreg:$0x0]  }
0x2: {  	s0 =	stileid.u32;
	s1 =	srdreg.scid  }
0x3: {  	s2 =	rddreg [dreg:$0x1];
	s3 =	simm.s32 $0x0;
	s5 =	smul.u32 $0x680, s0  }
0x4: {  	s16 =	simm.s32 $0x80;
	s17 =	simm.s32 $0x6800;
	s7 =	smul.u32 $0x380, s0  }
0x5: {  	s8 =	sand.u32 $0x1, s1;
	s1 =	rddreg [dreg:$0x2];
	s10 =	smul.u32 $0x13C00, s0  }
0x6: {  	s18 =	simm.s32 $0x1;
	[smem:$0x7FF] =	sst s3;
	s28 =	smul.u32 $0x4F000, s0  }
0x7: {  	s4 =	sadd.s32 $0x69800, s6;
	s31 =	sshll.u32 s0, $0x6;
	s9 =	smul.u32 $0x13C000, s8  }
0x8: {  	_ =	strace $0x8000004D;
	s26 =	ssub.s32 $0x2, s8;
	p0 =	seq.s32 s8, $0x1  }
0x9: {  	s11 =	sadd.s32 s5, s6;
	s12 =	sadd.s32 s7, s6;
	s5 =	sadd.s32 $0x4000, s6  }
0xa: {  	s29 =	sshrl.u32 s26, $0x1;
	s30 =	sshrl.u32 s28, $0x2;
	s24 =	sadd.s32 s10, s9  }
.Ltmp0:
0xb: {  	s14 =	ssub.s32 s26, s29;
	s15 =	sadd.s32 s30, s2;
	(pc) =	sbr.rel .LBB2_1-.Ltmp0, $4  }
0xc: {  	s7 =	sadd.s32 $0x5C000, s11;
	s8 =	sadd.s32 $0x55800, s11;
	s9 =	sadd.s32 $0x62800, s12  }
0xd: {  	s10 =	sadd.s32 $0x66000, s12;
	s25 =	sshrl.u32 s24, $0x3;
	s12 =	smax.u32 s14, $0x1  }
0xe: {  	s14 =	simm.s32 $0x2;
	s13 =	sadd.s32 s25, s6;
	s6 =	sor.u32 $0x1C02, s31  }
0xf: {  	s11 =	sadd.s32 $0x90A00, s13;
	s13 =	sshrl.u32 s15, $0x3;
	s15 =	simm.s32 $0x3400  }
.LBB2_7:
0x10: {  	s19 =	sshra.s32 s19, $0x2;
	[sflag:s14] =	ssyncadd.s32 $0xFFFFC000  }
0x11: {  	[tilespmem:s17], [sflag:$0x1] =	stream.indirect.gather [hbm4b:s4+s16], $0x80, s19, s16, $0xb8;
	[tilespmem:$0x1E400] =	vst v63  }
0x12: {  	_ =	swait.ge [sflag:s18], $0x4000  }
0x13: {  	[sflag:s18] =	ssyncset.done $0x0  }
0x14: {  	s19 =	sadd.s32 $0x3400, s19;
	[sflag:s18] =	ssyncadd.s32 $0xFFFFC000  }
0x15: {  	[spmem:s2] =	stream.indirect.scatter.add.f32 [tilespmem:s17], [sflag:$0x2], $0x80, s19, s16, $0xb8;
	[tilespmem:$0x1E400] =	vst v63  }
0x16: {  	_ =	swait.ge [sflag:s14], $0x4000  }
0x17: {  	[sflag:s14] =	ssyncset.done $0x0  }
0x18: {  	[sflag:s14] =	ssyncadd.s32 $0xFFFFC000  }
.LBB2_8:
0x19: {  	s3 =	sadd.s32 $0x1, s3  }
0x1a: {  	p1 =	sne.s32 s3, s12  }
.Ltmp1:
0x1b: {  	[bflag:$0x0] =	sbarrier.arrive $0xFFFF;
	(pc) =	sbr.rel @!p1 .LBB2_9-.Ltmp1, $4  }
0x1c: {  	[hbm:s11], [sflag:s6] =	dma.local [spmem:s13], $0x2780  }
0x1d: {  	_ =	swait.ge [sflag:s14], $0x2780  }
0x1e: {  	[sflag:s14] =	ssyncset.done $0x0  }
0x1f: {  	[sflag:s14] =	ssyncadd.s32 $0xFFFFD880  }
.LBB2_1:
0x20: {  	[spmem:s13], [sflag:s6] =	dma.local [hbm:s5], $0x2780  }
.Ltmp2:
0x21: {  	_ =	swait.ge [sflag:s14], $0x2780;
	(pc) =	sbr.rel @!p0 .LBB2_2-.Ltmp2, $4  }
0x22: {  	[sflag:s14] =	ssyncset.done $0x0  }
0x23: {  	[sflag:s14] =	ssyncadd.s32 $0xFFFFD880  }
0x24: {  	[bflag:$0x0] =	sbarrier.arrive $0xFFFF  }
0x25: {  	s19 =	simm.s32 $0x0  }
0x26: {  	[tilespmem:s19], [sflag:$0x2] =	stream.linear.gather [hbm4b:s9+s19], $0x1C00, $0x38;
	[tilespmem:$0x1E400] =	vst v63  }
0x27: {  	_ =	swait.ge [sflag:s14], $0x1C00  }
0x28: {  	[sflag:s14] =	ssyncset.done $0x0  }
0x29: {  	[sflag:s14] =	ssyncadd.s32 $0xFFFFE400  }
0x2a: {  	[tilespmem:s15], [sflag:$0x2] =	stream.linear.gather [hbm4b:s10+s19], $0x1C00, $0x38;
	[tilespmem:$0x1E400] =	vst v63  }
0x2b: {  	_ =	swait.ge [sflag:s14], $0x1C00  }
0x2c: {  	[sflag:s14] =	ssyncset.done $0x0  }
0x2d: {  	s30 =	simm.s32 $0x0;
	[sflag:s14] =	ssyncadd.s32 $0xFFFFE400  }
0x2e: {  	[tilespmem:s17], [sflag:$0x1] =	stream.indirect.gather [hbm4b:s4+s16], $0x80, s30, s16, $0xb8;
	[tilespmem:$0x1E400] =	vst v63  }
0x2f: {  	_ =	swait.ge [sflag:s18], $0x4000  }
0x30: {  	[sflag:s18] =	ssyncset.done $0x0  }
0x31: {  	s31 =	simm.s32 $0x3400;
	[sflag:s18] =	ssyncadd.s32 $0xFFFFC000  }
0x32: {  	[spmem:s2] =	stream.indirect.scatter.add.f32 [tilespmem:s17], [sflag:$0x2], $0x80, s31, s16, $0xb8;
	[tilespmem:$0x1E400] =	vst v63  }
0x33: {  	_ =	swait.ge [sflag:s14], $0x4000  }
0x34: {  	s20 =	simm.s32 $0x400;
	s19 =	simm.s32 $0x200;
	[sflag:s14] =	ssyncset.done $0x0  }
.LBB2_6:
0x35: {  	s21 =	sshra.s32 s19, $0x2  }
0x36: {  	[sflag:s14] =	ssyncadd.s32 $0xFFFFC000;
	s19 =	smov.u32 s20;
	s22 =	sadd.s32 $0x200, s20  }
0x37: {  	[tilespmem:s17], [sflag:$0x1] =	stream.indirect.gather [hbm4b:s4+s16], $0x80, s21, s16, $0xb8;
	[tilespmem:$0x1E400] =	vst v63  }
0x38: {  	p1 =	sne.s32 s20, $0x6E00;
	_ =	swait.ge [sflag:s18], $0x4000  }
.Ltmp3:
0x39: {  	[sflag:s18] =	ssyncset.done $0x0;
	(pc) =	sbr.rel @p1 .LBB2_6-.Ltmp3, $4  }
0x3a: {  	s20 =	sadd.s32 $0x3400, s21;
	[sflag:s18] =	ssyncadd.s32 $0xFFFFC000  }
0x3b: {  	[spmem:s2] =	stream.indirect.scatter.add.f32 [tilespmem:s17], [sflag:$0x2], $0x80, s20, s16, $0xb8;
	[tilespmem:$0x1E400] =	vst v63  }
0x3c: {  	_ =	swait.ge [sflag:s14], $0x4000  }
0x3d: {  	s20 =	smov.u32 s22;
	[sflag:s14] =	ssyncset.done $0x0  }
.Ltmp4:
0x3e: {  	_ = 	snop;
	(pc) =	sbr.rel .LBB2_7-.Ltmp4, $1  }
0x3f: {  	_ =	sdelay $0x3  }
.LBB2_2:
0x40: {  	[tilespmem:s19], [sflag:$0x2] =	stream.linear.gather [hbm4b:s7+s19], $0x3300, $0x38;
	[tilespmem:$0x1E400] =	vst v63  }
0x41: {  	_ =	swait.ge [sflag:s14], $0x3300  }
0x42: {  	[sflag:s14] =	ssyncset.done $0x0  }
0x43: {  	[sflag:s14] =	ssyncadd.s32 $0xFFFFCD00  }
0x44: {  	[tilespmem:s15], [sflag:$0x2] =	stream.linear.gather [hbm4b:s8+s19], $0x3300, $0x38;
	[tilespmem:$0x1E400] =	vst v63  }
0x45: {  	_ =	swait.ge [sflag:s14], $0x3300  }
0x46: {  	[sflag:s14] =	ssyncset.done $0x0  }
0x47: {  	s30 =	simm.s32 $0x0;
	[sflag:s14] =	ssyncadd.s32 $0xFFFFCD00  }
0x48: {  	[tilespmem:s17], [sflag:$0x1] =	stream.indirect.gather [hbm4b:s4+s16], $0x80, s30, s16, $0xb8;
	[tilespmem:$0x1E400] =	vst v63  }
0x49: {  	_ =	swait.ge [sflag:s18], $0x4000  }
0x4a: {  	[sflag:s18] =	ssyncset.done $0x0  }
0x4b: {  	s31 =	simm.s32 $0x3400;
	[sflag:s18] =	ssyncadd.s32 $0xFFFFC000  }
0x4c: {  	[spmem:s2] =	stream.indirect.scatter.add.f32 [tilespmem:s17], [sflag:$0x2], $0x80, s31, s16, $0xb8;
	[tilespmem:$0x1E400] =	vst v63  }
0x4d: {  	_ =	swait.ge [sflag:s14], $0x4000  }
0x4e: {  	s20 =	simm.s32 $0x400;
	s19 =	simm.s32 $0x200;
	[sflag:s14] =	ssyncset.done $0x0  }
.LBB2_3:
0x4f: {  	s21 =	sshra.s32 s19, $0x2  }
0x50: {  	[sflag:s14] =	ssyncadd.s32 $0xFFFFC000;
	s19 =	smov.u32 s20;
	s22 =	sadd.s32 $0x200, s20  }
0x51: {  	[tilespmem:s17], [sflag:$0x1] =	stream.indirect.gather [hbm4b:s4+s16], $0x80, s21, s16, $0xb8;
	[tilespmem:$0x1E400] =	vst v63  }
0x52: {  	p1 =	seq.s32 s20, $0xCA00;
	_ =	swait.ge [sflag:s18], $0x4000  }
.Ltmp5:
0x53: {  	[sflag:s18] =	ssyncset.done $0x0;
	(pc) =	sbr.rel @!p1 .LBB2_3-.Ltmp5, $4  }
0x54: {  	s20 =	sadd.s32 $0x3400, s21;
	[sflag:s18] =	ssyncadd.s32 $0xFFFFC000  }
0x55: {  	[spmem:s2] =	stream.indirect.scatter.add.f32 [tilespmem:s17], [sflag:$0x2], $0x80, s20, s16, $0xb8;
	[tilespmem:$0x1E400] =	vst v63  }
0x56: {  	_ =	swait.ge [sflag:s14], $0x4000  }
0x57: {  	s20 =	smov.u32 s22;
	[sflag:s14] =	ssyncset.done $0x0  }
0x58: {  	s19 =	sshra.s32 s19, $0x2;
	[sflag:s14] =	ssyncadd.s32 $0xFFFFC000  }
0x59: {  	[tilespmem:s17], [sflag:$0x1] =	stream.indirect.gather [hbm4b:s4+s16], $0x80, s19, s16, $0xb8;
	[tilespmem:$0x1E400] =	vst v63  }
0x5a: {  	_ =	swait.ge [sflag:s18], $0x4000  }
0x5b: {  	[sflag:s18] =	ssyncset.done $0x0  }
.Ltmp6:
0x5c: {  	s19 =	sadd.s32 $0x3400, s19;
	[sflag:s18] =	ssyncadd.s32 $0xFFFFC000;
	(pc) =	sbr.rel .LBB2_8-.Ltmp6, $4  }
0x5d: {  	[spmem:s2] =	stream.indirect.scatter.add.f32 [tilespmem:s17], [sflag:$0x2], $0x80, s19, s16, $0xb8;
	[tilespmem:$0x1E400] =	vst v63  }
0x5e: {  	_ =	swait.ge [sflag:s14], $0x4000  }
0x5f: {  	[sflag:s14] =	ssyncset.done $0x0  }
0x60: {  	[sflag:s14] =	ssyncadd.s32 $0xFFFFC000  }
.LBB2_9:
0x61: {  	_ =	sfence.sel $0x180000  }
0x62: {  	[bflag:$0x0] =	sbarrier.arrive $0xFFFF  }
0x63: {  	p0 =	sne.s32 s0, $0x0;
	_ =	strace $0x9000004D  }
0x64: {  	s0 =	sadd.s32 @!p0 $0x100000, s1;
	[bflag:$0x2] =	sbarrier.arrive $0xFFFF  }
0x65: {  	[sflag:s0] =	ssyncadd.tile.s32 @!p0 $0x1;
	_ =	shalt  }
.Lfunc_end2:
_tile_overlayer_lowered:
.L_overlay_start_2:
0x66: {  	(tag) =	ssettag $0x2  }
0x67: {  	s0 =	rddreg [dreg:$0x0];
	s2 =	stileid.u32  }
0x68: {  	s1 =	rddreg [dreg:$0x1];
	p0 =	sne.s32 s2, $0x0  }
0x69: {  	s3 =	rddreg [dreg:$0x2];
	[bflag:$0x3] =	sbarrier.arrive $0xFFFF;
	s2 =	simm.s32 @!p0 $0x1C02  }
0x6a: {  	[timem:s3], [sflag:s2] =	dma.local @!p0 [hbm:s0], s1  }
0x6b: {  	s0 =	simm.s32 @!p0 $0x2  }
0x6c: {  	_ =	swait.ge @!p0 [sflag:s0], s1  }
0x6d: {  	s1 =	ssub.s32 @!p0 $0x0, s1;
	[sflag:s0] =	ssyncset.done @!p0 $0x0  }
0x6e: {  	[sflag:s0] =	ssyncadd.s32 @!p0 s1  }
0x6f: {  	[bflag:$0x3] =	sbarrier.arrive $0xFFFF  }
0x70: {  	_ =	shalt  }

// kernel: kernel.19.cloned.1.call-start
scs
__scs_entry_jumppad:
0x0: {  	(pc) =	sbr.rel $0x88, $3  }
0x1: {  	(tag) =	ssettag $0x0;
	lr =	simm.s32 $0x1  }
0x2: {  	[smem:$0x3F95] =	sst lr;
	_ =	strace $0xD0000000  }
0x3: {  	_ = 	snop  }
0x4: {  	_ = 	snop  }
0x5: {  	_ = 	snop  }
0x6: {  	_ = 	snop  }
0x7: {  	_ = 	snop  }
__scs_overlays_trampoline_lowered:
0x8: {  	[smem:$0x3FA4] =	sst s0  }
0x9: {  	[smem:$0x3FA5] =	sst s1  }
0xa: {  	[smem:$0x3FA6] =	sst s2  }
0xb: {  	[smem:$0x3FA7] =	sst s3  }
0xc: {  	[smem:$0x3FA8] =	sst s4  }
0xd: {  	[smem:$0x3FA9] =	sst s5  }
0xe: {  	[smem:$0x3FAA] =	sst s6  }
0xf: {  	[smem:$0x3FAB] =	sst s7  }
0x10: {  	[smem:$0x3FAC] =	sst s8  }
0x11: {  	[smem:$0x3FAD] =	sst s9;
	s0 =	simm.s32 @!p0 $0x0  }
0x12: {  	s1 =	sld [smem:$0x3F93];
	s0 =	simm.s32 @p0 $0x1  }
0x13: {  	[smem:$0x3FAE] =	sst s0;
	s0 =	simm.s32 @!p1 $0x0  }
0x14: {  	s2 =	sld [smem:$0x3F92];
	s0 =	simm.s32 @p1 $0x1  }
0x15: {  	[smem:$0x3FAF] =	sst s0;
	s0 =	simm.s32 @!p2 $0x0  }
0x16: {  	s3 =	sld [smem:$0x3FDB];
	s0 =	simm.s32 @p2 $0x1  }
0x17: {  	s4 =	simm.s32 $0x1BF5;
	[smem:$0x3FB1] =	sst s0  }
0x18: {  	s0 =	sld [smem:$0x3F94];
	_ =	swait.ge [sflag:s4], $0x0  }
0x19: {  	s7 =	sld [smem:$0x3F95]  }
0x1a: {  	s8 =	sadd.s32 $0xFFFFE003, lr  }
0x1b: {  	s9 =	sadd.s32 $0xFFFFFEF7, lr;
	s5 =	simm.s32 $0xFFFFFFFF;
	p2 =	slt.u32 s8, $0xFFFFF086  }
0x1c: {  	p1 =	slt.u32 s9, $0xF7A;
	s5 =	simm.s32 @!p2 $0x0  }
0x1d: {  	s5 =	simm.s32 @p1 $0x1;
	p0 =	seq.s32 s7, s2  }
0x1e: {  	s7 =	smul.u32 @!p0 $0xF7A, s2;
	p2 =	seq.s32 @!p0 s5, $0x0  }
0x1f: {  	s9 =	smul.u32 $0xF7A, s1;
	s8 =	simm.s32 @!p0 $0x1BF5;
	p2 =	por !p2, p0  }
0x20: {  	[sflag:s8] =	ssyncset.s32 @!p0 $0xFFFFF086;
	s6 =	sadd.s32 @!p0 s3, s7;
	s7 =	simm.s32 @!p0 $0x108  }
0x21: {  	s3 =	sadd.s32 s3, s9;
	s6 =	sadd.s32 @!p0 $0x88, s6;
	s7 =	simm.s32 @p2 $0x1082  }
0x22: {  	[simem:s7], [sflag:s8] =	dma.local @!p0 [hbm:s6], $0xF7A  }
0x23: {  	s9 =	sor.u32 $0xD0000000, s2;
	s6 =	simm.s32 $0x108;
	_ =	swait.ge @!p0 [sflag:s8], $0x0  }
0x24: {  	s3 =	sadd.s32 $0x88, s3;
	s6 =	simm.s32 @!p1 $0x1082;
	[sflag:s4] =	ssyncset.s32 $0xFFFFF086  }
0x25: {  	[simem:s6], [sflag:s4] =	dma.local [hbm:s3], $0xF7A  }
0x26: {  	[smem:$0x3F95] =	sst s1;
	(tag) =	ssettag s2;
	_ =	strace s9  }
0x27: {  	s1 =	sld [smem:$0x3FA5]  }
0x28: {  	s2 =	sld [smem:$0x3FA6]  }
0x29: {  	s4 =	sld [smem:$0x3FA8]  }
0x2a: {  	p0 =	seq.s32 s5, $0x0;
	s5 =	sld [smem:$0x3FA9]  }
0x2b: {  	s6 =	sld [smem:$0x3FAA]  }
0x2c: {  	s7 =	sld [smem:$0x3FAB]  }
0x2d: {  	s3 =	simm.s32 $0x108;
	s8 =	sld [smem:$0x3FAC]  }
0x2e: {  	s3 =	simm.s32 @!p0 $0x1082;
	s9 =	sld [smem:$0x3FAD]  }
0x2f: {  	lr =	sadd.s32 s0, s3;
	s0 =	sld [smem:$0x3FA4]  }
0x30: {  	s3 =	sld [smem:$0x3FA7]  }
0x31: {  	[smem:$0x3FB0] =	sst s10  }
0x32: {  	s10 =	sld [smem:$0x3FAE];
	_ =	sdelay $0x3  }
0x33: {  	p0 =	seq.s32 s10, $0x1;
	s10 =	sld [smem:$0x3FB0];
	_ =	sdelay $0x3  }
0x34: {  	[smem:$0x3FB0] =	sst s10  }
0x35: {  	s10 =	sld [smem:$0x3FAF];
	_ =	sdelay $0x3  }
0x36: {  	p1 =	seq.s32 s10, $0x1;
	s10 =	sld [smem:$0x3FB0];
	_ =	sdelay $0x3  }
0x37: {  	[smem:$0x3FB0] =	sst s10  }
0x38: {  	s10 =	sld [smem:$0x3FB1]  }
0x39: {  	_ = 	snop;
	(pc) =	sbr.ind lr, $3  }
0x3a: {  	_ = 	snop  }
0x3b: {  	_ = 	snop  }
0x3c: {  	p2 =	seq.s32 s10, $0x1;
	s10 =	sld [smem:$0x3FB0]  }
0x3d: {  	_ =	shalt  }
0x3e: {  	_ =	shalt  }
0x3f: {  	_ =	shalt  }
0x40: {  	_ =	shalt  }
0x41: {  	_ =	shalt  }
0x42: {  	_ =	shalt  }
0x43: {  	_ =	shalt  }
0x44: {  	_ =	shalt  }
0x45: {  	_ =	shalt  }
0x46: {  	_ =	shalt  }
0x47: {  	_ =	shalt  }
0x48: {  	_ =	shalt  }
0x49: {  	_ =	shalt  }
0x4a: {  	_ =	shalt  }
0x4b: {  	_ =	shalt  }
0x4c: {  	_ =	shalt  }
0x4d: {  	_ =	shalt  }
0x4e: {  	_ =	shalt  }
0x4f: {  	_ =	shalt  }
0x50: {  	_ =	shalt  }
0x51: {  	_ =	shalt  }
0x52: {  	_ =	shalt  }
0x53: {  	_ =	shalt  }
0x54: {  	_ =	shalt  }
0x55: {  	_ =	shalt  }
0x56: {  	_ =	shalt  }
0x57: {  	_ =	shalt  }
0x58: {  	_ =	shalt  }
0x59: {  	_ =	shalt  }
0x5a: {  	_ =	shalt  }
0x5b: {  	_ =	shalt  }
0x5c: {  	_ =	shalt  }
0x5d: {  	_ =	shalt  }
0x5e: {  	_ =	shalt  }
0x5f: {  	_ =	shalt  }
0x60: {  	_ =	shalt  }
0x61: {  	_ =	shalt  }
0x62: {  	_ =	shalt  }
0x63: {  	_ =	shalt  }
0x64: {  	_ =	shalt  }
0x65: {  	_ =	shalt  }
0x66: {  	_ =	shalt  }
0x67: {  	_ =	shalt  }
0x68: {  	_ =	shalt  }
0x69: {  	_ =	shalt  }
0x6a: {  	_ =	shalt  }
0x6b: {  	_ =	shalt  }
0x6c: {  	_ =	shalt  }
0x6d: {  	_ =	shalt  }
0x6e: {  	_ =	shalt  }
0x6f: {  	_ =	shalt  }
0x70: {  	_ =	shalt  }
0x71: {  	_ =	shalt  }
0x72: {  	_ =	shalt  }
0x73: {  	_ =	shalt  }
0x74: {  	_ =	shalt  }
0x75: {  	_ =	shalt  }
0x76: {  	_ =	shalt  }
0x77: {  	_ =	shalt  }
0x78: {  	_ =	shalt  }
0x79: {  	_ =	shalt  }
0x7a: {  	_ =	shalt  }
0x7b: {  	_ =	shalt  }
0x7c: {  	_ =	shalt  }
0x7d: {  	_ =	shalt  }
0x7e: {  	_ =	shalt  }
0x7f: {  	_ =	shalt  }
0x80: {  	_ =	shalt  }
0x81: {  	_ =	shalt  }
0x82: {  	_ =	shalt  }
0x83: {  	_ =	shalt  }
0x84: {  	_ =	shalt  }
0x85: {  	_ =	shalt  }
0x86: {  	_ =	shalt  }
0x87: {  	_ =	shalt  }
.Lfunc_end0:
.L_simem_size_0:
called_computation.3_lowered:
.L_overlay_start_0:
0x88: {  	s2 =	sld [smem:$0x3FD9]  }
0x89: {  	s3 =	sld [smem:$0x3FFE];
	_ =	sdelay $0x1  }
0x8a: {  	s1 =	srdreg.scid  }
0x8b: {  	s0 =	sand.u32 $0x1, s1  }
0x8c: {  	s16 =	sshll.u32 s0, $0xA;
	s2 =	sadd.s32 s3, s2  }
0x8d: {  	s2 =	sadd.s32 s2, s16  }
0x8e: {  	[smem:$0x3FBC] =	sst s2  }
0x8f: {  	_ = 	snop  }
0x90: {  	(tm) =	ssettm $0x1  }
0x91: {  	s17 =	sld [smem:$0x3FFB];
	_ =	sdelay $0x3  }
0x92: {  	_ =	strace s17  }
0x93: {  	s2 =	sld [smem:$0x3FFC];
	_ =	sdelay $0x3  }
0x94: {  	_ =	strace s2  }
0x95: {  	s2 =	sld [smem:$0x3FFD];
	_ =	sdelay $0x3  }
0x96: {  	_ =	strace s2  }
0x97: {  	_ =	strace $0x8FFFFFFF  }
0x98: {  	s18 =	sld [smem:$0x3FDB];
	_ =	sdelay $0x1  }
0x99: {  	s19 =	simm.s32 $_scs_section_size  }
0x9a: {  	s4 =	simm.s32 $_size__tile_overlayer_lowered;
	s5 =	simm.s32 $_tile_overlayer_lowered  }
0x9b: {  	s22 =	simm.s32 $0x1BFF;
	s21 =	sshll.u32 s5, $0x1;
	s2 =	sadd.s32 s19, s18  }
0x9c: {  	s6 =	simm.s32 $0x0;
	s20 =	sshll.u32 s4, $0x1;
	s4 =	sadd.s32 s21, s2  }
0x9d: {  	[timem:s6], [sflag:s22] =	dma.local [hbm:s4], s20  }
0x9e: {  	_ =	swait.ge [sflag:s22], s20  }
0x9f: {  	s3 =	ssub.s32 $0x0, s20;
	[sflag:s22] =	ssyncset.done $0x0  }
0xa0: {  	[sflag:s22] =	ssyncadd.s32 s3;
	_ =	sdelay $0x1  }
0xa1: {  	s23 =	simm.s32 $0x1B8B  }
0xa2: {  	_ =	swait.ge [sflag:s23], $0x1  }
0xa3: {  	[sflag:s23] =	ssyncset.done $0x0  }
0xa4: {  	s25 =	simm.s32 $0x1B8E;
	s24 =	sld [smem:$0x3FFE];
	[sflag:s23] =	ssyncadd.s32 $0xFFFFFFFF  }
0xa5: {  	s26 =	simm.s32 $execute0_lowered;
	[smem:$0x3FD2] =	sst s25  }
0xa6: {  	s4 =	sshll.u32 s26, $0x1;
	_ =	strace $0x8000004F;
	[dreg:$0x1] =	wrdreg $0xFFFFFFFF  }
0xa7: {  	s28 =	simm.s32 $_size_execute0_lowered;
	s2 =	sadd.s32 s2, s4;
	[dreg:$0x0] =	wrdreg $0x0  }
0xa8: {  	s4 =	sshll.u32 s28, $0x1;
	[dreg:$0x2] =	wrdreg s2  }
0xa9: {  	[dreg:$0x3] =	wrdreg s4  }
0xaa: {  	[dreg:$0x4] =	wrdreg $0xC0  }
0xab: {  	_ =	task [dreg:s6], $0x5FFFF  }
0xac: {  	[dreg:$0x1] =	wrdreg $0xFFFFFFFF  }
0xad: {  	[dreg:$0x0] =	wrdreg $0x60  }
0xae: {  	[dreg:$0x2] =	wrdreg s24  }
0xaf: {  	[dreg:$0x3] =	wrdreg $0xA8000  }
0xb0: {  	[dreg:$0x4] =	wrdreg $0x9  }
0xb1: {  	_ =	task.clear_ibuf [dreg:s6], $0x5FFFF;
	_ =	strace $0x9000004F  }
0xb2: {  	s29 =	simm.s32 $0x9;
	_ =	strace $0x80000051  }
0xb3: {  	_ =	swait.ge [sflag:s29], $0x1  }
0xb4: {  	[sflag:s29] =	ssyncadd.s32 $0xFFFFFFFF  }
0xb5: {  	_ =	strace $0x90000051  }
0xb6: {  	_ =	sfence  }
0xb7: {  	s30 =	sld [smem:$0x0];
	_ =	sdelay $0x2  }
0xb8: {  	s31 =	sshll.u32 s1, $0xD;
	s1 =	sshrl.u32 s1, $0x2  }
0xb9: {  	s3 =	sand.u32 $0x4000, s31;
	s1 =	sadd.s32 s1, s30  }
0xba: {  	s0 =	sor.u32 s3, s0;
	s1 =	sshll.u32 s1, $0x11  }
0xbb: {  	s0 =	sor.u32 s1, s0  }
0xbc: {  	s0 =	sadd.s32 $0x8F2B, s0  }
0xbd: {  	[sflag:s0] =	ssyncadd.remote.s32 $0x1  }
0xbe: {  	_ =	sfence.sel $0xFFFF  }
0xbf: {  	[dreg:$0x0] =	wrdreg $0xFFFFFFFF;
	(pc) =	sbr.abs _section_cstart, $3  }
0xc0: {  	[dreg:$0x1] =	wrdreg $0xFFFFFFFF  }
0xc1: {  	_ =	task.clear_ibuf [dreg:s6], $0x2FFFF;
	_ =	strace $0x9FFFFFFF  }
0xc2: {  	(tm) =	ssettm $0x7FFFFFFF  }
0xc3: {  	_ =	shalt  }
tec
execute0_lowered:
.L_overlay_start_1:
0x0: {  	(tag) =	ssettag $0x1  }
0x1: {  	s6 =	rddreg [dreg:$0x0]  }
0x2: {  	s0 =	stileid.u32;
	s1 =	srdreg.scid  }
0x3: {  	s2 =	rddreg [dreg:$0x1];
	s3 =	simm.s32 $0x0;
	s5 =	smul.u32 $0x680, s0  }
0x4: {  	s16 =	simm.s32 $0x80;
	s17 =	simm.s32 $0x6800;
	s7 =	smul.u32 $0x380, s0  }
0x5: {  	s8 =	sand.u32 $0x1, s1;
	s1 =	rddreg [dreg:$0x2];
	s10 =	smul.u32 $0x13C00, s0  }
0x6: {  	s18 =	simm.s32 $0x1;
	[smem:$0x7FF] =	sst s3;
	s28 =	smul.u32 $0x4F000, s0  }
0x7: {  	s4 =	sadd.s32 $0x69800, s6;
	s31 =	sshll.u32 s0, $0x6;
	s9 =	smul.u32 $0x13C000, s8  }
0x8: {  	_ =	strace $0x80000050;
	s26 =	ssub.s32 $0x2, s8;
	p0 =	seq.s32 s8, $0x1  }
0x9: {  	s11 =	sadd.s32 s5, s6;
	s12 =	sadd.s32 s7, s6;
	s5 =	sadd.s32 $0x4000, s6  }
0xa: {  	s29 =	sshrl.u32 s26, $0x1;
	s30 =	sshrl.u32 s28, $0x2;
	s24 =	sadd.s32 s10, s9  }
.Ltmp0:
0xb: {  	s14 =	ssub.s32 s26, s29;
	s15 =	sadd.s32 s30, s2;
	(pc) =	sbr.rel .LBB2_1-.Ltmp0, $4  }
0xc: {  	s7 =	sadd.s32 $0x5C000, s11;
	s8 =	sadd.s32 $0x55800, s11;
	s9 =	sadd.s32 $0x62800, s12  }
0xd: {  	s10 =	sadd.s32 $0x66000, s12;
	s25 =	sshrl.u32 s24, $0x3;
	s12 =	smax.u32 s14, $0x1  }
0xe: {  	s14 =	simm.s32 $0x2;
	s13 =	sadd.s32 s25, s6;
	s6 =	sor.u32 $0x1C02, s31  }
0xf: {  	s11 =	sadd.s32 $0x90A00, s13;
	s13 =	sshrl.u32 s15, $0x3;
	s15 =	simm.s32 $0x3400  }
.LBB2_7:
0x10: {  	s19 =	sshra.s32 s19, $0x2;
	[sflag:s14] =	ssyncadd.s32 $0xFFFFC000  }
0x11: {  	[tilespmem:s17], [sflag:$0x1] =	stream.indirect.gather [hbm4b:s4+s16], $0x80, s19, s16, $0xb8;
	[tilespmem:$0x1E400] =	vst v63  }
0x12: {  	_ =	swait.ge [sflag:s18], $0x4000  }
0x13: {  	[sflag:s18] =	ssyncset.done $0x0  }
0x14: {  	s19 =	sadd.s32 $0x3400, s19;
	[sflag:s18] =	ssyncadd.s32 $0xFFFFC000  }
0x15: {  	[spmem:s2] =	stream.indirect.scatter.add.f32 [tilespmem:s17], [sflag:$0x2], $0x80, s19, s16, $0xb8;
	[tilespmem:$0x1E400] =	vst v63  }
0x16: {  	_ =	swait.ge [sflag:s14], $0x4000  }
0x17: {  	[sflag:s14] =	ssyncset.done $0x0  }
0x18: {  	[sflag:s14] =	ssyncadd.s32 $0xFFFFC000  }
.LBB2_8:
0x19: {  	s3 =	sadd.s32 $0x1, s3  }
0x1a: {  	p1 =	sne.s32 s3, s12  }
.Ltmp1:
0x1b: {  	[bflag:$0x0] =	sbarrier.arrive $0xFFFF;
	(pc) =	sbr.rel @!p1 .LBB2_9-.Ltmp1, $4  }
0x1c: {  	[hbm:s11], [sflag:s6] =	dma.local [spmem:s13], $0x2780  }
0x1d: {  	_ =	swait.ge [sflag:s14], $0x2780  }
0x1e: {  	[sflag:s14] =	ssyncset.done $0x0  }
0x1f: {  	[sflag:s14] =	ssyncadd.s32 $0xFFFFD880  }
.LBB2_1:
0x20: {  	[spmem:s13], [sflag:s6] =	dma.local [hbm:s5], $0x2780  }
.Ltmp2:
0x21: {  	_ =	swait.ge [sflag:s14], $0x2780;
	(pc) =	sbr.rel @!p0 .LBB2_2-.Ltmp2, $4  }
0x22: {  	[sflag:s14] =	ssyncset.done $0x0  }
0x23: {  	[sflag:s14] =	ssyncadd.s32 $0xFFFFD880  }
0x24: {  	[bflag:$0x0] =	sbarrier.arrive $0xFFFF  }
0x25: {  	s19 =	simm.s32 $0x0  }
0x26: {  	[tilespmem:s19], [sflag:$0x2] =	stream.linear.gather [hbm4b:s9+s19], $0x1C00, $0x38;
	[tilespmem:$0x1E400] =	vst v63  }
0x27: {  	_ =	swait.ge [sflag:s14], $0x1C00  }
0x28: {  	[sflag:s14] =	ssyncset.done $0x0  }
0x29: {  	[sflag:s14] =	ssyncadd.s32 $0xFFFFE400  }
0x2a: {  	[tilespmem:s15], [sflag:$0x2] =	stream.linear.gather [hbm4b:s10+s19], $0x1C00, $0x38;
	[tilespmem:$0x1E400] =	vst v63  }
0x2b: {  	_ =	swait.ge [sflag:s14], $0x1C00  }
0x2c: {  	[sflag:s14] =	ssyncset.done $0x0  }
0x2d: {  	s30 =	simm.s32 $0x0;
	[sflag:s14] =	ssyncadd.s32 $0xFFFFE400  }
0x2e: {  	[tilespmem:s17], [sflag:$0x1] =	stream.indirect.gather [hbm4b:s4+s16], $0x80, s30, s16, $0xb8;
	[tilespmem:$0x1E400] =	vst v63  }
0x2f: {  	_ =	swait.ge [sflag:s18], $0x4000  }
0x30: {  	[sflag:s18] =	ssyncset.done $0x0  }
0x31: {  	s31 =	simm.s32 $0x3400;
	[sflag:s18] =	ssyncadd.s32 $0xFFFFC000  }
0x32: {  	[spmem:s2] =	stream.indirect.scatter.add.f32 [tilespmem:s17], [sflag:$0x2], $0x80, s31, s16, $0xb8;
	[tilespmem:$0x1E400] =	vst v63  }
0x33: {  	_ =	swait.ge [sflag:s14], $0x4000  }
0x34: {  	s20 =	simm.s32 $0x400;
	s19 =	simm.s32 $0x200;
	[sflag:s14] =	ssyncset.done $0x0  }
.LBB2_6:
0x35: {  	s21 =	sshra.s32 s19, $0x2  }
0x36: {  	[sflag:s14] =	ssyncadd.s32 $0xFFFFC000;
	s19 =	smov.u32 s20;
	s22 =	sadd.s32 $0x200, s20  }
0x37: {  	[tilespmem:s17], [sflag:$0x1] =	stream.indirect.gather [hbm4b:s4+s16], $0x80, s21, s16, $0xb8;
	[tilespmem:$0x1E400] =	vst v63  }
0x38: {  	p1 =	sne.s32 s20, $0x6E00;
	_ =	swait.ge [sflag:s18], $0x4000  }
.Ltmp3:
0x39: {  	[sflag:s18] =	ssyncset.done $0x0;
	(pc) =	sbr.rel @p1 .LBB2_6-.Ltmp3, $4  }
0x3a: {  	s20 =	sadd.s32 $0x3400, s21;
	[sflag:s18] =	ssyncadd.s32 $0xFFFFC000  }
0x3b: {  	[spmem:s2] =	stream.indirect.scatter.add.f32 [tilespmem:s17], [sflag:$0x2], $0x80, s20, s16, $0xb8;
	[tilespmem:$0x1E400] =	vst v63  }
0x3c: {  	_ =	swait.ge [sflag:s14], $0x4000  }
0x3d: {  	s20 =	smov.u32 s22;
	[sflag:s14] =	ssyncset.done $0x0  }
.Ltmp4:
0x3e: {  	_ = 	snop;
	(pc) =	sbr.rel .LBB2_7-.Ltmp4, $1  }
0x3f: {  	_ =	sdelay $0x3  }
.LBB2_2:
0x40: {  	[tilespmem:s19], [sflag:$0x2] =	stream.linear.gather [hbm4b:s7+s19], $0x3300, $0x38;
	[tilespmem:$0x1E400] =	vst v63  }
0x41: {  	_ =	swait.ge [sflag:s14], $0x3300  }
0x42: {  	[sflag:s14] =	ssyncset.done $0x0  }
0x43: {  	[sflag:s14] =	ssyncadd.s32 $0xFFFFCD00  }
0x44: {  	[tilespmem:s15], [sflag:$0x2] =	stream.linear.gather [hbm4b:s8+s19], $0x3300, $0x38;
	[tilespmem:$0x1E400] =	vst v63  }
0x45: {  	_ =	swait.ge [sflag:s14], $0x3300  }
0x46: {  	[sflag:s14] =	ssyncset.done $0x0  }
0x47: {  	s30 =	simm.s32 $0x0;
	[sflag:s14] =	ssyncadd.s32 $0xFFFFCD00  }
0x48: {  	[tilespmem:s17], [sflag:$0x1] =	stream.indirect.gather [hbm4b:s4+s16], $0x80, s30, s16, $0xb8;
	[tilespmem:$0x1E400] =	vst v63  }
0x49: {  	_ =	swait.ge [sflag:s18], $0x4000  }
0x4a: {  	[sflag:s18] =	ssyncset.done $0x0  }
0x4b: {  	s31 =	simm.s32 $0x3400;
	[sflag:s18] =	ssyncadd.s32 $0xFFFFC000  }
0x4c: {  	[spmem:s2] =	stream.indirect.scatter.add.f32 [tilespmem:s17], [sflag:$0x2], $0x80, s31, s16, $0xb8;
	[tilespmem:$0x1E400] =	vst v63  }
0x4d: {  	_ =	swait.ge [sflag:s14], $0x4000  }
0x4e: {  	s20 =	simm.s32 $0x400;
	s19 =	simm.s32 $0x200;
	[sflag:s14] =	ssyncset.done $0x0  }
.LBB2_3:
0x4f: {  	s21 =	sshra.s32 s19, $0x2  }
0x50: {  	[sflag:s14] =	ssyncadd.s32 $0xFFFFC000;
	s19 =	smov.u32 s20;
	s22 =	sadd.s32 $0x200, s20  }
0x51: {  	[tilespmem:s17], [sflag:$0x1] =	stream.indirect.gather [hbm4b:s4+s16], $0x80, s21, s16, $0xb8;
	[tilespmem:$0x1E400] =	vst v63  }
0x52: {  	p1 =	seq.s32 s20, $0xCA00;
	_ =	swait.ge [sflag:s18], $0x4000  }
.Ltmp5:
0x53: {  	[sflag:s18] =	ssyncset.done $0x0;
	(pc) =	sbr.rel @!p1 .LBB2_3-.Ltmp5, $4  }
0x54: {  	s20 =	sadd.s32 $0x3400, s21;
	[sflag:s18] =	ssyncadd.s32 $0xFFFFC000  }
0x55: {  	[spmem:s2] =	stream.indirect.scatter.add.f32 [tilespmem:s17], [sflag:$0x2], $0x80, s20, s16, $0xb8;
	[tilespmem:$0x1E400] =	vst v63  }
0x56: {  	_ =	swait.ge [sflag:s14], $0x4000  }
0x57: {  	s20 =	smov.u32 s22;
	[sflag:s14] =	ssyncset.done $0x0  }
0x58: {  	s19 =	sshra.s32 s19, $0x2;
	[sflag:s14] =	ssyncadd.s32 $0xFFFFC000  }
0x59: {  	[tilespmem:s17], [sflag:$0x1] =	stream.indirect.gather [hbm4b:s4+s16], $0x80, s19, s16, $0xb8;
	[tilespmem:$0x1E400] =	vst v63  }
0x5a: {  	_ =	swait.ge [sflag:s18], $0x4000  }
0x5b: {  	[sflag:s18] =	ssyncset.done $0x0  }
.Ltmp6:
0x5c: {  	s19 =	sadd.s32 $0x3400, s19;
	[sflag:s18] =	ssyncadd.s32 $0xFFFFC000;
	(pc) =	sbr.rel .LBB2_8-.Ltmp6, $4  }
0x5d: {  	[spmem:s2] =	stream.indirect.scatter.add.f32 [tilespmem:s17], [sflag:$0x2], $0x80, s19, s16, $0xb8;
	[tilespmem:$0x1E400] =	vst v63  }
0x5e: {  	_ =	swait.ge [sflag:s14], $0x4000  }
0x5f: {  	[sflag:s14] =	ssyncset.done $0x0  }
0x60: {  	[sflag:s14] =	ssyncadd.s32 $0xFFFFC000  }
.LBB2_9:
0x61: {  	_ =	sfence.sel $0x180000  }
0x62: {  	[bflag:$0x0] =	sbarrier.arrive $0xFFFF  }
0x63: {  	p0 =	sne.s32 s0, $0x0;
	_ =	strace $0x90000050  }
0x64: {  	s0 =	sadd.s32 @!p0 $0x100000, s1;
	[bflag:$0x2] =	sbarrier.arrive $0xFFFF  }
0x65: {  	[sflag:s0] =	ssyncadd.tile.s32 @!p0 $0x1;
	_ =	shalt  }
.Lfunc_end2:
_tile_overlayer_lowered:
.L_overlay_start_2:
0x66: {  	(tag) =	ssettag $0x2  }
0x67: {  	s0 =	rddreg [dreg:$0x0];
	s2 =	stileid.u32  }
0x68: {  	s1 =	rddreg [dreg:$0x1];
	p0 =	sne.s32 s2, $0x0  }
0x69: {  	s3 =	rddreg [dreg:$0x2];
	[bflag:$0x3] =	sbarrier.arrive $0xFFFF;
	s2 =	simm.s32 @!p0 $0x1C02  }
0x6a: {  	[timem:s3], [sflag:s2] =	dma.local @!p0 [hbm:s0], s1  }
0x6b: {  	s0 =	simm.s32 @!p0 $0x2  }
0x6c: {  	_ =	swait.ge @!p0 [sflag:s0], s1  }
0x6d: {  	s1 =	ssub.s32 @!p0 $0x0, s1;
	[sflag:s0] =	ssyncset.done @!p0 $0x0  }
0x6e: {  	[sflag:s0] =	ssyncadd.s32 @!p0 s1  }
0x6f: {  	[bflag:$0x3] =	sbarrier.arrive $0xFFFF  }
0x70: {  	_ =	shalt  }

</sc_bundles>
